<compile_context>
chip_gen: v7x
topology: tpu7x:2x2x1
jax: 0.10.2.dev20260603
libtpu: 0.0.44.dev20260713+nightly
codegen_flags: <defaults>
</compile_context>

<pallas_src>
import functools

import jax
import jax.numpy as jnp
from jax import lax
from jax.experimental import pallas as pl
from jax.experimental.pallas import tpu as pltpu
from jax.experimental.pallas import tpu_sc as plsc

N = 10000
E = 320000
D = 128

NC = 2
NS = 16
LANES = 16
NW = NC * NS
CHUNK = 128
CHUNKS_PER_W = (E + NW * CHUNK - 1) // (NW * CHUNK)
EP = NW * CHUNKS_PER_W * CHUNK
NPAD = 10240
ROWS_PER_TILE = NPAD // NS

_mesh = plsc.VectorSubcoreMesh(
    core_axis_name="c", subcore_axis_name="s", num_cores=NC, num_subcores=NS
)


@functools.partial(
    pl.kernel,
    out_type=jax.ShapeDtypeStruct((NC, NPAD, D), jnp.float32),
    mesh=_mesh,
    scratch_types=[
        pltpu.VMEM((CHUNKS_PER_W, CHUNK), jnp.int32),
        pltpu.VMEM((CHUNKS_PER_W, CHUNK), jnp.int32),
        pltpu.VMEM((CHUNKS_PER_W, CHUNK), jnp.float32),
        pltpu.VMEM((CHUNK, D), jnp.float32),
        pltpu.VMEM_SHARED((NPAD, D), jnp.float32),
        pltpu.SemaphoreType.DMA,
    ],
)
def _sc_aggregate(x_hbm, src_hbm, dst_hbm, vals_hbm, z_hbm, out_hbm,
                  src_v, dst_v, vals_v, rows_v, acc, sem):
    cid = lax.axis_index("c")
    sid = lax.axis_index("s")
    wid = sid * NC + cid

    row0 = sid * ROWS_PER_TILE
    pltpu.sync_copy(z_hbm.at[pl.ds(row0, ROWS_PER_TILE)],
                    acc.at[pl.ds(row0, ROWS_PER_TILE)])

    pltpu.sync_copy(src_hbm.at[wid], src_v)
    pltpu.sync_copy(dst_hbm.at[wid], dst_v)
    pltpu.sync_copy(vals_hbm.at[wid], vals_v)
    plsc.subcore_barrier()

    def chunk_body(c, _):
        pltpu.async_copy(x_hbm.at[src_v.at[c]], rows_v, sem).wait()

        def group_body(g, _):
            base = g * LANES
            v16 = vals_v[c, pl.ds(base, LANES)]
            for j in range(LANES):
                e = base + j
                val = jnp.full((LANES,), v16[j], jnp.float32)
                for s in range(D // LANES):
                    cs = LANES * s
                    rows_v[e, pl.ds(cs, LANES)] = rows_v[e, pl.ds(cs, LANES)] * val
            return 0

        lax.fori_loop(0, CHUNK // LANES, group_body, 0)

        pltpu.sync_copy(rows_v, acc.at[dst_v.at[c]], add=True)
        return 0

    lax.fori_loop(0, CHUNKS_PER_W, chunk_body, 0)

    plsc.subcore_barrier()
    pltpu.sync_copy(acc.at[pl.ds(row0, ROWS_PER_TILE)],
                    out_hbm.at[cid, pl.ds(row0, ROWS_PER_TILE)])


def _tc_linear_body(p_ref, w_ref, b_ref, o_ref):
    agg = p_ref[0] + p_ref[1]
    o_ref[...] = jnp.dot(agg, w_ref[...],
                         preferred_element_type=jnp.float32,
                         precision=lax.Precision.HIGHEST) + b_ref[...]


_TC_BLOCK = 2000

_tc_linear = pl.pallas_call(
    _tc_linear_body,
    grid=(N // _TC_BLOCK,),
    in_specs=[
        pl.BlockSpec((NC, _TC_BLOCK, D), lambda i: (0, i, 0)),
        pl.BlockSpec((D, D), lambda i: (0, 0)),
        pl.BlockSpec((1, D), lambda i: (0, 0)),
    ],
    out_specs=pl.BlockSpec((_TC_BLOCK, D), lambda i: (i, 0)),
    out_shape=jax.ShapeDtypeStruct((N, D), jnp.float32),
)


def kernel(x, edge_index, adj_values, W, b):
    dst = edge_index[0].astype(jnp.int32)
    src = edge_index[1].astype(jnp.int32)
    pad = EP - E
    src_p = jnp.concatenate([src, jnp.zeros((pad,), jnp.int32)]).reshape(NW, CHUNKS_PER_W, CHUNK)
    dst_p = jnp.concatenate([dst, jnp.zeros((pad,), jnp.int32)]).reshape(NW, CHUNKS_PER_W, CHUNK)
    vals_p = jnp.concatenate([adj_values, jnp.zeros((pad,), jnp.float32)]).reshape(NW, CHUNKS_PER_W, CHUNK)
    zeros = jnp.zeros((NPAD, D), jnp.float32)
    partials = _sc_aggregate(x, src_p, dst_p, vals_p, zeros)
    return _tc_linear(partials, W.T, b.reshape(1, D))

# --- scband reference (transcript-rebuilt; emitter-appended) ---
"""Pipeline reference for scband-graph-conv-12120397709959 (READ-ONLY COPY).

The authoritative reference and input builder live on the scoring server;
editing this copy changes nothing except your own understanding.
"""

import jax, jax.numpy as jnp
import numpy as np

N = 10000
E = 320000
D_IN = 128
D_OUT = 128


def setup_inputs(seed: int = 0) -> dict:
    key = jax.random.key(seed)
    k1, k2, k3, k4 = jax.random.split(key, 4)
    x = jax.random.normal(k1, (N, D_IN), dtype=jnp.float32)
    edge_index = jax.random.randint(k2, (2, E), 0, N, dtype=jnp.int64)
    adj_values = jax.random.uniform(k3, (E,), dtype=jnp.float32)
    # nn.Linear(in_dim, out_dim) parameters
    bound = 1.0 / np.sqrt(D_IN)
    W = jax.random.uniform(k4, (D_OUT, D_IN), dtype=jnp.float32, minval=-bound, maxval=bound)
    b = jnp.zeros((D_OUT,), dtype=jnp.float32)
    return {"x": x, "edge_index": edge_index, "adj_values": adj_values, "W": W, "b": b}


def reference(x, edge_index, adj_values, W, b):
    # adj is a sparse COO matrix [N, N] with rows=dst, cols=src.
    # torch.sparse.mm(adj, x): out[i] = sum_j adj[i, j] * x[j]
    dst = edge_index[0]
    src = edge_index[1]
    msgs = adj_values[:, None] * jnp.take(x, src, axis=0)
    agg = jax.ops.segment_sum(msgs, dst, num_segments=N)
    # nn.Linear: agg @ W.T + b
    return agg @ W.T + b

if __name__ == "__main__":
    import jax
    _d = setup_inputs()
    print(jax.jit(kernel)(*tuple(_d.values())))

</pallas_src>

<mosaic_0001>
#map = affine_map<(d0, d1) -> (0, 0)>
#map1 = affine_map<(d0, d1) -> (0, 0, 0)>
module attributes {stable_mosaic.version = 14 : i64} {
  func.func @_sc_aggregate(%arg0: i32, %arg1: i32, %arg2: memref<10000x128xf32, #tpu.memory_space<hbm>>, %arg3: memref<32x79x128xi32, #tpu.memory_space<hbm>>, %arg4: memref<32x79x128xi32, #tpu.memory_space<hbm>>, %arg5: memref<32x79x128xf32, #tpu.memory_space<hbm>>, %arg6: memref<10240x128xf32, #tpu.memory_space<hbm>>, %arg7: memref<2x10240x128xf32, #tpu.memory_space<hbm>>, %arg8: memref<79x128xi32, #tpu.memory_space<vmem>>, %arg9: memref<79x128xi32, #tpu.memory_space<vmem>>, %arg10: memref<79x128xf32, #tpu.memory_space<vmem>>, %arg11: memref<128x128xf32, #tpu.memory_space<vmem>>, %arg12: memref<10240x128xf32, #tpu.memory_space<vmem_shared>>, %arg13: memref<!tpu.dma_semaphore, #tpu.memory_space<semaphore_mem>>) attributes {dimension_semantics = [#tpu.dimension_semantics<core_parallel>, #tpu.dimension_semantics<subcore_parallel>], iteration_bounds = array<i64: 2, 16>, scalar_prefetch = 0 : i64, scratch_operands = 6 : i64, tpu.core_type = #tpu.core_type<sc_vector_subcore>, window_params = [{transform_indices = #map}, {transform_indices = #map1}, {transform_indices = #map1}, {transform_indices = #map1}, {transform_indices = #map}, {transform_indices = #map1}]} {
    %mul3A = arith.constant 2 : i32
    %mul3A_0 = arith.muli %arg1, %mul3A : i32
    %add3A = arith.addi %mul3A_0, %arg0 : i32
    %mul3A_1 = arith.constant 640 : i32
    %mul3A_2 = arith.muli %arg1, %mul3A_1 : i32
    "tpu.region"() ({
      %run_scoped3A = tpu.sem_alloc : memref<!tpu.dma_semaphore, #tpu.memory_space<semaphore_mem>>
      %dma_start3A = arith.constant 0 : i32
      %dma_start3A_10 = tpu.memref_slice %arg12[%mul3A_2, %dma_start3A] : memref<10240x128xf32, #tpu.memory_space<vmem_shared>> -> memref<640x128xf32, #tpu.memory_space<vmem_shared>>
      %dma_start3A_11 = arith.constant 0 : i32
      %dma_start3A_12 = tpu.memref_slice %arg6[%mul3A_2, %dma_start3A_11] : memref<10240x128xf32, #tpu.memory_space<hbm>> -> memref<640x128xf32, #tpu.memory_space<hbm>>
      tpu.enqueue_dma source(%dma_start3A_12 : memref<640x128xf32, #tpu.memory_space<hbm>>) target(%dma_start3A_10 : memref<640x128xf32, #tpu.memory_space<vmem_shared>>) target_semaphore(%run_scoped3A : memref<!tpu.dma_semaphore, #tpu.memory_space<semaphore_mem>>)
      %dma_wait3A = arith.constant 0 : i32
      %dma_wait3A_13 = tpu.memref_slice %arg12[%mul3A_2, %dma_wait3A] : memref<10240x128xf32, #tpu.memory_space<vmem_shared>> -> memref<640x128xf32, #tpu.memory_space<vmem_shared>>
      %dma_wait3A_14 = arith.constant 0 : i32
      %dma_wait3A_15 = tpu.memref_slice %arg6[%mul3A_2, %dma_wait3A_14] : memref<10240x128xf32, #tpu.memory_space<hbm>> -> memref<640x128xf32, #tpu.memory_space<hbm>>
      tpu.wait_dma2 semaphore(%run_scoped3A : memref<!tpu.dma_semaphore, #tpu.memory_space<semaphore_mem>>) src(%dma_wait3A_15 : memref<640x128xf32, #tpu.memory_space<hbm>>) dst(%dma_wait3A_13 : memref<640x128xf32, #tpu.memory_space<vmem_shared>>)
      tpu.yield
    }) : () -> ()
    "tpu.region"() ({
      %run_scoped3A = tpu.sem_alloc : memref<!tpu.dma_semaphore, #tpu.memory_space<semaphore_mem>>
      %dma_start3A = arith.constant 0 : i32
      %dma_start3A_10 = arith.constant 0 : i32
      %dma_start3A_11 = tpu.memref_slice %arg3[%add3A, %dma_start3A, %dma_start3A_10] : memref<32x79x128xi32, #tpu.memory_space<hbm>> -> memref<1x79x128xi32, #tpu.memory_space<hbm>>
      %dma_start3A_12 = tpu.memref_squeeze %dma_start3A_11 : memref<1x79x128xi32, #tpu.memory_space<hbm>> -> memref<79x128xi32, #tpu.memory_space<hbm>>
      %dma_start3A_13 = arith.constant 0 : i32
      %dma_start3A_14 = arith.constant 0 : i32
      %dma_start3A_15 = tpu.memref_slice %arg3[%add3A, %dma_start3A_13, %dma_start3A_14] : memref<32x79x128xi32, #tpu.memory_space<hbm>> -> memref<1x79x128xi32, #tpu.memory_space<hbm>>
      %dma_start3A_16 = tpu.memref_squeeze %dma_start3A_15 : memref<1x79x128xi32, #tpu.memory_space<hbm>> -> memref<79x128xi32, #tpu.memory_space<hbm>>
      tpu.enqueue_dma source(%dma_start3A_16 : memref<79x128xi32, #tpu.memory_space<hbm>>) target(%arg8 : memref<79x128xi32, #tpu.memory_space<vmem>>) target_semaphore(%run_scoped3A : memref<!tpu.dma_semaphore, #tpu.memory_space<semaphore_mem>>)
      %dma_wait3A = arith.constant 0 : i32
      %dma_wait3A_17 = arith.constant 0 : i32
      %dma_wait3A_18 = tpu.memref_slice %arg3[%add3A, %dma_wait3A, %dma_wait3A_17] : memref<32x79x128xi32, #tpu.memory_space<hbm>> -> memref<1x79x128xi32, #tpu.memory_space<hbm>>
      %dma_wait3A_19 = tpu.memref_squeeze %dma_wait3A_18 : memref<1x79x128xi32, #tpu.memory_space<hbm>> -> memref<79x128xi32, #tpu.memory_space<hbm>>
      %dma_wait3A_20 = arith.constant 0 : i32
      %dma_wait3A_21 = arith.constant 0 : i32
      %dma_wait3A_22 = tpu.memref_slice %arg3[%add3A, %dma_wait3A_20, %dma_wait3A_21] : memref<32x79x128xi32, #tpu.memory_space<hbm>> -> memref<1x79x128xi32, #tpu.memory_space<hbm>>
      %dma_wait3A_23 = tpu.memref_squeeze %dma_wait3A_22 : memref<1x79x128xi32, #tpu.memory_space<hbm>> -> memref<79x128xi32, #tpu.memory_space<hbm>>
      tpu.wait_dma2 semaphore(%run_scoped3A : memref<!tpu.dma_semaphore, #tpu.memory_space<semaphore_mem>>) src(%dma_wait3A_23 : memref<79x128xi32, #tpu.memory_space<hbm>>) dst(%arg8 : memref<79x128xi32, #tpu.memory_space<vmem>>)
      tpu.yield
    }) : () -> ()
    "tpu.region"() ({
      %run_scoped3A = tpu.sem_alloc : memref<!tpu.dma_semaphore, #tpu.memory_space<semaphore_mem>>
      %dma_start3A = arith.constant 0 : i32
      %dma_start3A_10 = arith.constant 0 : i32
      %dma_start3A_11 = tpu.memref_slice %arg4[%add3A, %dma_start3A, %dma_start3A_10] : memref<32x79x128xi32, #tpu.memory_space<hbm>> -> memref<1x79x128xi32, #tpu.memory_space<hbm>>
      %dma_start3A_12 = tpu.memref_squeeze %dma_start3A_11 : memref<1x79x128xi32, #tpu.memory_space<hbm>> -> memref<79x128xi32, #tpu.memory_space<hbm>>
      %dma_start3A_13 = arith.constant 0 : i32
      %dma_start3A_14 = arith.constant 0 : i32
      %dma_start3A_15 = tpu.memref_slice %arg4[%add3A, %dma_start3A_13, %dma_start3A_14] : memref<32x79x128xi32, #tpu.memory_space<hbm>> -> memref<1x79x128xi32, #tpu.memory_space<hbm>>
      %dma_start3A_16 = tpu.memref_squeeze %dma_start3A_15 : memref<1x79x128xi32, #tpu.memory_space<hbm>> -> memref<79x128xi32, #tpu.memory_space<hbm>>
      tpu.enqueue_dma source(%dma_start3A_16 : memref<79x128xi32, #tpu.memory_space<hbm>>) target(%arg9 : memref<79x128xi32, #tpu.memory_space<vmem>>) target_semaphore(%run_scoped3A : memref<!tpu.dma_semaphore, #tpu.memory_space<semaphore_mem>>)
      %dma_wait3A = arith.constant 0 : i32
      %dma_wait3A_17 = arith.constant 0 : i32
      %dma_wait3A_18 = tpu.memref_slice %arg4[%add3A, %dma_wait3A, %dma_wait3A_17] : memref<32x79x128xi32, #tpu.memory_space<hbm>> -> memref<1x79x128xi32, #tpu.memory_space<hbm>>
      %dma_wait3A_19 = tpu.memref_squeeze %dma_wait3A_18 : memref<1x79x128xi32, #tpu.memory_space<hbm>> -> memref<79x128xi32, #tpu.memory_space<hbm>>
      %dma_wait3A_20 = arith.constant 0 : i32
      %dma_wait3A_21 = arith.constant 0 : i32
      %dma_wait3A_22 = tpu.memref_slice %arg4[%add3A, %dma_wait3A_20, %dma_wait3A_21] : memref<32x79x128xi32, #tpu.memory_space<hbm>> -> memref<1x79x128xi32, #tpu.memory_space<hbm>>
      %dma_wait3A_23 = tpu.memref_squeeze %dma_wait3A_22 : memref<1x79x128xi32, #tpu.memory_space<hbm>> -> memref<79x128xi32, #tpu.memory_space<hbm>>
      tpu.wait_dma2 semaphore(%run_scoped3A : memref<!tpu.dma_semaphore, #tpu.memory_space<semaphore_mem>>) src(%dma_wait3A_23 : memref<79x128xi32, #tpu.memory_space<hbm>>) dst(%arg9 : memref<79x128xi32, #tpu.memory_space<vmem>>)
      tpu.yield
    }) : () -> ()
    "tpu.region"() ({
      %run_scoped3A = tpu.sem_alloc : memref<!tpu.dma_semaphore, #tpu.memory_space<semaphore_mem>>
      %dma_start3A = arith.constant 0 : i32
      %dma_start3A_10 = arith.constant 0 : i32
      %dma_start3A_11 = tpu.memref_slice %arg5[%add3A, %dma_start3A, %dma_start3A_10] : memref<32x79x128xf32, #tpu.memory_space<hbm>> -> memref<1x79x128xf32, #tpu.memory_space<hbm>>
      %dma_start3A_12 = tpu.memref_squeeze %dma_start3A_11 : memref<1x79x128xf32, #tpu.memory_space<hbm>> -> memref<79x128xf32, #tpu.memory_space<hbm>>
      %dma_start3A_13 = arith.constant 0 : i32
      %dma_start3A_14 = arith.constant 0 : i32
      %dma_start3A_15 = tpu.memref_slice %arg5[%add3A, %dma_start3A_13, %dma_start3A_14] : memref<32x79x128xf32, #tpu.memory_space<hbm>> -> memref<1x79x128xf32, #tpu.memory_space<hbm>>
      %dma_start3A_16 = tpu.memref_squeeze %dma_start3A_15 : memref<1x79x128xf32, #tpu.memory_space<hbm>> -> memref<79x128xf32, #tpu.memory_space<hbm>>
      tpu.enqueue_dma source(%dma_start3A_16 : memref<79x128xf32, #tpu.memory_space<hbm>>) target(%arg10 : memref<79x128xf32, #tpu.memory_space<vmem>>) target_semaphore(%run_scoped3A : memref<!tpu.dma_semaphore, #tpu.memory_space<semaphore_mem>>)
      %dma_wait3A = arith.constant 0 : i32
      %dma_wait3A_17 = arith.constant 0 : i32
      %dma_wait3A_18 = tpu.memref_slice %arg5[%add3A, %dma_wait3A, %dma_wait3A_17] : memref<32x79x128xf32, #tpu.memory_space<hbm>> -> memref<1x79x128xf32, #tpu.memory_space<hbm>>
      %dma_wait3A_19 = tpu.memref_squeeze %dma_wait3A_18 : memref<1x79x128xf32, #tpu.memory_space<hbm>> -> memref<79x128xf32, #tpu.memory_space<hbm>>
      %dma_wait3A_20 = arith.constant 0 : i32
      %dma_wait3A_21 = arith.constant 0 : i32
      %dma_wait3A_22 = tpu.memref_slice %arg5[%add3A, %dma_wait3A_20, %dma_wait3A_21] : memref<32x79x128xf32, #tpu.memory_space<hbm>> -> memref<1x79x128xf32, #tpu.memory_space<hbm>>
      %dma_wait3A_23 = tpu.memref_squeeze %dma_wait3A_22 : memref<1x79x128xf32, #tpu.memory_space<hbm>> -> memref<79x128xf32, #tpu.memory_space<hbm>>
      tpu.wait_dma2 semaphore(%run_scoped3A : memref<!tpu.dma_semaphore, #tpu.memory_space<semaphore_mem>>) src(%dma_wait3A_23 : memref<79x128xf32, #tpu.memory_space<hbm>>) dst(%arg10 : memref<79x128xf32, #tpu.memory_space<vmem>>)
      tpu.yield
    }) : () -> ()
    %barrier3A = arith.constant 0 : index
    tpu.barrier barrier_id(%barrier3A)
    %scan3A = arith.constant 0 : i32
    %scan3A_3 = arith.constant 0 : i32
    %scan3A_4 = arith.constant 79 : i32
    %scan3A_5 = arith.addi %scan3A_3, %scan3A_4 : i32
    %scan3A_6 = arith.constant 1 : i32
    %scan3A_7 = scf.for %scan3A_10 = %scan3A_3 to %scan3A_5 step %scan3A_6 iter_args(%scan3A_11 = %scan3A) -> (i32)  : i32 {
      %dma_start3A = arith.constant 0 : i32
      %dma_start3A_12 = tpu.memref_slice %arg8[%scan3A_10, %dma_start3A] : memref<79x128xi32, #tpu.memory_space<vmem>> -> memref<1x128xi32, #tpu.memory_space<vmem>>
      %dma_start3A_13 = tpu.memref_squeeze %dma_start3A_12 : memref<1x128xi32, #tpu.memory_space<vmem>> -> memref<128xi32, #tpu.memory_space<vmem>>
      %dma_start3A_14 = arith.constant 0 : i32
      %dma_start3A_15 = arith.constant 0 : i32
      %dma_start3A_16 = tpu.memref_slice %arg2[%dma_start3A_14, %dma_start3A_15] : memref<10000x128xf32, #tpu.memory_space<hbm>> -> memref<10000x128xf32, #tpu.memory_space<hbm>>
      tpu.enqueue_indirect_dma source(%dma_start3A_16 : memref<10000x128xf32, #tpu.memory_space<hbm>>) target(%arg11 : memref<128x128xf32, #tpu.memory_space<vmem>>) offsets(%dma_start3A_13 : memref<128xi32, #tpu.memory_space<vmem>>) semaphore(%arg13 : memref<!tpu.dma_semaphore, #tpu.memory_space<semaphore_mem>>)
      %dma_wait3A = arith.constant 0 : i32
      %dma_wait3A_17 = tpu.memref_slice %arg8[%scan3A_10, %dma_wait3A] : memref<79x128xi32, #tpu.memory_space<vmem>> -> memref<1x128xi32, #tpu.memory_space<vmem>>
      %dma_wait3A_18 = tpu.memref_squeeze %dma_wait3A_17 : memref<1x128xi32, #tpu.memory_space<vmem>> -> memref<128xi32, #tpu.memory_space<vmem>>
      %dma_wait3A_19 = arith.constant 0 : i32
      %dma_wait3A_20 = arith.constant 0 : i32
      %dma_wait3A_21 = tpu.memref_slice %arg2[%dma_wait3A_19, %dma_wait3A_20] : memref<10000x128xf32, #tpu.memory_space<hbm>> -> memref<10000x128xf32, #tpu.memory_space<hbm>>
      tpu.wait_indirect_dma semaphore(%arg13 : memref<!tpu.dma_semaphore, #tpu.memory_space<semaphore_mem>>) src(%dma_wait3A_21 : memref<10000x128xf32, #tpu.memory_space<hbm>>) dst(%arg11 : memref<128x128xf32, #tpu.memory_space<vmem>>)
      %scan3A_22 = arith.constant 0 : i32
      %scan3A_23 = arith.constant 0 : i32
      %scan3A_24 = arith.constant 8 : i32
      %scan3A_25 = arith.addi %scan3A_23, %scan3A_24 : i32
      %scan3A_26 = arith.constant 1 : i32
      %scan3A_27 = scf.for %scan3A_30 = %scan3A_23 to %scan3A_25 step %scan3A_26 iter_args(%scan3A_31 = %scan3A_22) -> (i32)  : i32 {
        %mul3A_32 = arith.constant 16 : i32
        %mul3A_33 = arith.muli %scan3A_30, %mul3A_32 : i32
        %get3A = arith.index_cast %scan3A_10 : i32 to index
        %get3A_34 = arith.index_cast %mul3A_33 : i32 to index
        %get3A_35 = tpu.vector_load %arg10[%get3A, %get3A_34] {strides = array<i32>} : memref<79x128xf32, #tpu.memory_space<vmem>>, vector<1x16xf32>,
        %get3A_36 = vector.shape_cast %get3A_35 : vector<1x16xf32> to vector<16xf32>
        %add3A_37 = arith.constant 0 : i32
        %add3A_38 = arith.addi %mul3A_33, %add3A_37 : i32
        %slice3A = vector.extract_strided_slice %get3A_36 {offsets = [0], sizes = [1], strides = [1]} : vector<16xf32> to vector<1xf32>
        %squeeze3A = vector.extract %slice3A[0] : f32 from vector<1xf32>
        %broadcast_in_dim3A = vector.broadcast %squeeze3A : f32 to vector<16xf32>
        %get3A_39 = arith.index_cast %add3A_38 : i32 to index
        %get3A_40 = arith.constant 0 : index
        %get3A_41 = tpu.vector_load %arg11[%get3A_39, %get3A_40] {strides = array<i32>} : memref<128x128xf32, #tpu.memory_space<vmem>>, vector<1x16xf32>,
        %get3A_42 = vector.shape_cast %get3A_41 : vector<1x16xf32> to vector<16xf32>
        %mul3A_43 = arith.mulf %get3A_42, %broadcast_in_dim3A : vector<16xf32>
        %swap3A = arith.index_cast %add3A_38 : i32 to index
        %swap3A_44 = arith.constant 0 : index
        %swap3A_45 = tpu.vector_load %arg11[%swap3A, %swap3A_44] {strides = array<i32>} : memref<128x128xf32, #tpu.memory_space<vmem>>, vector<1x16xf32>,
        %swap3A_46 = vector.shape_cast %swap3A_45 : vector<1x16xf32> to vector<16xf32>
        %swap3A_47 = vector.shape_cast %mul3A_43 : vector<16xf32> to vector<1x16xf32>
        tpu.vector_store %arg11[%swap3A, %swap3A_44], %swap3A_47 {strides = array<i32>} : memref<128x128xf32, #tpu.memory_space<vmem>>, vector<1x16xf32>,
        %get3A_48 = arith.index_cast %add3A_38 : i32 to index
        %get3A_49 = arith.constant 16 : index
        %get3A_50 = tpu.vector_load %arg11[%get3A_48, %get3A_49] {strides = array<i32>} : memref<128x128xf32, #tpu.memory_space<vmem>>, vector<1x16xf32>,
        %get3A_51 = vector.shape_cast %get3A_50 : vector<1x16xf32> to vector<16xf32>
        %mul3A_52 = arith.mulf %get3A_51, %broadcast_in_dim3A : vector<16xf32>
        %swap3A_53 = arith.index_cast %add3A_38 : i32 to index
        %swap3A_54 = arith.constant 16 : index
        %swap3A_55 = tpu.vector_load %arg11[%swap3A_53, %swap3A_54] {strides = array<i32>} : memref<128x128xf32, #tpu.memory_space<vmem>>, vector<1x16xf32>,
        %swap3A_56 = vector.shape_cast %swap3A_55 : vector<1x16xf32> to vector<16xf32>
        %swap3A_57 = vector.shape_cast %mul3A_52 : vector<16xf32> to vector<1x16xf32>
        tpu.vector_store %arg11[%swap3A_53, %swap3A_54], %swap3A_57 {strides = array<i32>} : memref<128x128xf32, #tpu.memory_space<vmem>>, vector<1x16xf32>,
        %get3A_58 = arith.index_cast %add3A_38 : i32 to index
        %get3A_59 = arith.constant 32 : index
        %get3A_60 = tpu.vector_load %arg11[%get3A_58, %get3A_59] {strides = array<i32>} : memref<128x128xf32, #tpu.memory_space<vmem>>, vector<1x16xf32>,
        %get3A_61 = vector.shape_cast %get3A_60 : vector<1x16xf32> to vector<16xf32>
        %mul3A_62 = arith.mulf %get3A_61, %broadcast_in_dim3A : vector<16xf32>
        %swap3A_63 = arith.index_cast %add3A_38 : i32 to index
        %swap3A_64 = arith.constant 32 : index
        %swap3A_65 = tpu.vector_load %arg11[%swap3A_63, %swap3A_64] {strides = array<i32>} : memref<128x128xf32, #tpu.memory_space<vmem>>, vector<1x16xf32>,
        %swap3A_66 = vector.shape_cast %swap3A_65 : vector<1x16xf32> to vector<16xf32>
        %swap3A_67 = vector.shape_cast %mul3A_62 : vector<16xf32> to vector<1x16xf32>
        tpu.vector_store %arg11[%swap3A_63, %swap3A_64], %swap3A_67 {strides = array<i32>} : memref<128x128xf32, #tpu.memory_space<vmem>>, vector<1x16xf32>,
        %get3A_68 = arith.index_cast %add3A_38 : i32 to index
        %get3A_69 = arith.constant 48 : index
        %get3A_70 = tpu.vector_load %arg11[%get3A_68, %get3A_69] {strides = array<i32>} : memref<128x128xf32, #tpu.memory_space<vmem>>, vector<1x16xf32>,
        %get3A_71 = vector.shape_cast %get3A_70 : vector<1x16xf32> to vector<16xf32>
        %mul3A_72 = arith.mulf %get3A_71, %broadcast_in_dim3A : vector<16xf32>
        %swap3A_73 = arith.index_cast %add3A_38 : i32 to index
        %swap3A_74 = arith.constant 48 : index
        %swap3A_75 = tpu.vector_load %arg11[%swap3A_73, %swap3A_74] {strides = array<i32>} : memref<128x128xf32, #tpu.memory_space<vmem>>, vector<1x16xf32>,
        %swap3A_76 = vector.shape_cast %swap3A_75 : vector<1x16xf32> to vector<16xf32>
        %swap3A_77 = vector.shape_cast %mul3A_72 : vector<16xf32> to vector<1x16xf32>
        tpu.vector_store %arg11[%swap3A_73, %swap3A_74], %swap3A_77 {strides = array<i32>} : memref<128x128xf32, #tpu.memory_space<vmem>>, vector<1x16xf32>,
        %get3A_78 = arith.index_cast %add3A_38 : i32 to index
        %get3A_79 = arith.constant 64 : index
        %get3A_80 = tpu.vector_load %arg11[%get3A_78, %get3A_79] {strides = array<i32>} : memref<128x128xf32, #tpu.memory_space<vmem>>, vector<1x16xf32>,
        %get3A_81 = vector.shape_cast %get3A_80 : vector<1x16xf32> to vector<16xf32>
        %mul3A_82 = arith.mulf %get3A_81, %broadcast_in_dim3A : vector<16xf32>
        %swap3A_83 = arith.index_cast %add3A_38 : i32 to index
        %swap3A_84 = arith.constant 64 : index
        %swap3A_85 = tpu.vector_load %arg11[%swap3A_83, %swap3A_84] {strides = array<i32>} : memref<128x128xf32, #tpu.memory_space<vmem>>, vector<1x16xf32>,
        %swap3A_86 = vector.shape_cast %swap3A_85 : vector<1x16xf32> to vector<16xf32>
        %swap3A_87 = vector.shape_cast %mul3A_82 : vector<16xf32> to vector<1x16xf32>
        tpu.vector_store %arg11[%swap3A_83, %swap3A_84], %swap3A_87 {strides = array<i32>} : memref<128x128xf32, #tpu.memory_space<vmem>>, vector<1x16xf32>,
        %get3A_88 = arith.index_cast %add3A_38 : i32 to index
        %get3A_89 = arith.constant 80 : index
        %get3A_90 = tpu.vector_load %arg11[%get3A_88, %get3A_89] {strides = array<i32>} : memref<128x128xf32, #tpu.memory_space<vmem>>, vector<1x16xf32>,
        %get3A_91 = vector.shape_cast %get3A_90 : vector<1x16xf32> to vector<16xf32>
        %mul3A_92 = arith.mulf %get3A_91, %broadcast_in_dim3A : vector<16xf32>
        %swap3A_93 = arith.index_cast %add3A_38 : i32 to index
        %swap3A_94 = arith.constant 80 : index
        %swap3A_95 = tpu.vector_load %arg11[%swap3A_93, %swap3A_94] {strides = array<i32>} : memref<128x128xf32, #tpu.memory_space<vmem>>, vector<1x16xf32>,
        %swap3A_96 = vector.shape_cast %swap3A_95 : vector<1x16xf32> to vector<16xf32>
        %swap3A_97 = vector.shape_cast %mul3A_92 : vector<16xf32> to vector<1x16xf32>
        tpu.vector_store %arg11[%swap3A_93, %swap3A_94], %swap3A_97 {strides = array<i32>} : memref<128x128xf32, #tpu.memory_space<vmem>>, vector<1x16xf32>,
        %get3A_98 = arith.index_cast %add3A_38 : i32 to index
        %get3A_99 = arith.constant 96 : index
        %get3A_100 = tpu.vector_load %arg11[%get3A_98, %get3A_99] {strides = array<i32>} : memref<128x128xf32, #tpu.memory_space<vmem>>, vector<1x16xf32>,
        %get3A_101 = vector.shape_cast %get3A_100 : vector<1x16xf32> to vector<16xf32>
        %mul3A_102 = arith.mulf %get3A_101, %broadcast_in_dim3A : vector<16xf32>
        %swap3A_103 = arith.index_cast %add3A_38 : i32 to index
        %swap3A_104 = arith.constant 96 : index
        %swap3A_105 = tpu.vector_load %arg11[%swap3A_103, %swap3A_104] {strides = array<i32>} : memref<128x128xf32, #tpu.memory_space<vmem>>, vector<1x16xf32>,
        %swap3A_106 = vector.shape_cast %swap3A_105 : vector<1x16xf32> to vector<16xf32>
        %swap3A_107 = vector.shape_cast %mul3A_102 : vector<16xf32> to vector<1x16xf32>
        tpu.vector_store %arg11[%swap3A_103, %swap3A_104], %swap3A_107 {strides = array<i32>} : memref<128x128xf32, #tpu.memory_space<vmem>>, vector<1x16xf32>,
        %get3A_108 = arith.index_cast %add3A_38 : i32 to index
        %get3A_109 = arith.constant 112 : index
        %get3A_110 = tpu.vector_load %arg11[%get3A_108, %get3A_109] {strides = array<i32>} : memref<128x128xf32, #tpu.memory_space<vmem>>, vector<1x16xf32>,
        %get3A_111 = vector.shape_cast %get3A_110 : vector<1x16xf32> to vector<16xf32>
        %mul3A_112 = arith.mulf %get3A_111, %broadcast_in_dim3A : vector<16xf32>
        %swap3A_113 = arith.index_cast %add3A_38 : i32 to index
        %swap3A_114 = arith.constant 112 : index
        %swap3A_115 = tpu.vector_load %arg11[%swap3A_113, %swap3A_114] {strides = array<i32>} : memref<128x128xf32, #tpu.memory_space<vmem>>, vector<1x16xf32>,
        %swap3A_116 = vector.shape_cast %swap3A_115 : vector<1x16xf32> to vector<16xf32>
        %swap3A_117 = vector.shape_cast %mul3A_112 : vector<16xf32> to vector<1x16xf32>
        tpu.vector_store %arg11[%swap3A_113, %swap3A_114], %swap3A_117 {strides = array<i32>} : memref<128x128xf32, #tpu.memory_space<vmem>>, vector<1x16xf32>,
        %add3A_118 = arith.constant 1 : i32
        %add3A_119 = arith.addi %mul3A_33, %add3A_118 : i32
        %slice3A_120 = vector.extract_strided_slice %get3A_36 {offsets = [1], sizes = [1], strides = [1]} : vector<16xf32> to vector<1xf32>
        %squeeze3A_121 = vector.extract %slice3A_120[0] : f32 from vector<1xf32>
        %broadcast_in_dim3A_122 = vector.broadcast %squeeze3A_121 : f32 to vector<16xf32>
        %get3A_123 = arith.index_cast %add3A_119 : i32 to index
        %get3A_124 = arith.constant 0 : index
        %get3A_125 = tpu.vector_load %arg11[%get3A_123, %get3A_124] {strides = array<i32>} : memref<128x128xf32, #tpu.memory_space<vmem>>, vector<1x16xf32>,
        %get3A_126 = vector.shape_cast %get3A_125 : vector<1x16xf32> to vector<16xf32>
        %mul3A_127 = arith.mulf %get3A_126, %broadcast_in_dim3A_122 : vector<16xf32>
        %swap3A_128 = arith.index_cast %add3A_119 : i32 to index
        %swap3A_129 = arith.constant 0 : index
        %swap3A_130 = tpu.vector_load %arg11[%swap3A_128, %swap3A_129] {strides = array<i32>} : memref<128x128xf32, #tpu.memory_space<vmem>>, vector<1x16xf32>,
        %swap3A_131 = vector.shape_cast %swap3A_130 : vector<1x16xf32> to vector<16xf32>
        %swap3A_132 = vector.shape_cast %mul3A_127 : vector<16xf32> to vector<1x16xf32>
        tpu.vector_store %arg11[%swap3A_128, %swap3A_129], %swap3A_132 {strides = array<i32>} : memref<128x128xf32, #tpu.memory_space<vmem>>, vector<1x16xf32>,
        %get3A_133 = arith.index_cast %add3A_119 : i32 to index
        %get3A_134 = arith.constant 16 : index
        %get3A_135 = tpu.vector_load %arg11[%get3A_133, %get3A_134] {strides = array<i32>} : memref<128x128xf32, #tpu.memory_space<vmem>>, vector<1x16xf32>,
        %get3A_136 = vector.shape_cast %get3A_135 : vector<1x16xf32> to vector<16xf32>
        %mul3A_137 = arith.mulf %get3A_136, %broadcast_in_dim3A_122 : vector<16xf32>
        %swap3A_138 = arith.index_cast %add3A_119 : i32 to index
        %swap3A_139 = arith.constant 16 : index
        %swap3A_140 = tpu.vector_load %arg11[%swap3A_138, %swap3A_139] {strides = array<i32>} : memref<128x128xf32, #tpu.memory_space<vmem>>, vector<1x16xf32>,
        %swap3A_141 = vector.shape_cast %swap3A_140 : vector<1x16xf32> to vector<16xf32>
        %swap3A_142 = vector.shape_cast %mul3A_137 : vector<16xf32> to vector<1x16xf32>
        tpu.vector_store %arg11[%swap3A_138, %swap3A_139], %swap3A_142 {strides = array<i32>} : memref<128x128xf32, #tpu.memory_space<vmem>>, vector<1x16xf32>,
        %get3A_143 = arith.index_cast %add3A_119 : i32 to index
        %get3A_144 = arith.constant 32 : index
        %get3A_145 = tpu.vector_load %arg11[%get3A_143, %get3A_144] {strides = array<i32>} : memref<128x128xf32, #tpu.memory_space<vmem>>, vector<1x16xf32>,
        %get3A_146 = vector.shape_cast %get3A_145 : vector<1x16xf32> to vector<16xf32>
        %mul3A_147 = arith.mulf %get3A_146, %broadcast_in_dim3A_122 : vector<16xf32>
        %swap3A_148 = arith.index_cast %add3A_119 : i32 to index
        %swap3A_149 = arith.constant 32 : index
        %swap3A_150 = tpu.vector_load %arg11[%swap3A_148, %swap3A_149] {strides = array<i32>} : memref<128x128xf32, #tpu.memory_space<vmem>>, vector<1x16xf32>,
        %swap3A_151 = vector.shape_cast %swap3A_150 : vector<1x16xf32> to vector<16xf32>
        %swap3A_152 = vector.shape_cast %mul3A_147 : vector<16xf32> to vector<1x16xf32>
        tpu.vector_store %arg11[%swap3A_148, %swap3A_149], %swap3A_152 {strides = array<i32>} : memref<128x128xf32, #tpu.memory_space<vmem>>, vector<1x16xf32>,
        %get3A_153 = arith.index_cast %add3A_119 : i32 to index
        %get3A_154 = arith.constant 48 : index
        %get3A_155 = tpu.vector_load %arg11[%get3A_153, %get3A_154] {strides = array<i32>} : memref<128x128xf32, #tpu.memory_space<vmem>>, vector<1x16xf32>,
        %get3A_156 = vector.shape_cast %get3A_155 : vector<1x16xf32> to vector<16xf32>
        %mul3A_157 = arith.mulf %get3A_156, %broadcast_in_dim3A_122 : vector<16xf32>
        %swap3A_158 = arith.index_cast %add3A_119 : i32 to index
        %swap3A_159 = arith.constant 48 : index
        %swap3A_160 = tpu.vector_load %arg11[%swap3A_158, %swap3A_159] {strides = array<i32>} : memref<128x128xf32, #tpu.memory_space<vmem>>, vector<1x16xf32>,
        %swap3A_161 = vector.shape_cast %swap3A_160 : vector<1x16xf32> to vector<16xf32>
        %swap3A_162 = vector.shape_cast %mul3A_157 : vector<16xf32> to vector<1x16xf32>
        tpu.vector_store %arg11[%swap3A_158, %swap3A_159], %swap3A_162 {strides = array<i32>} : memref<128x128xf32, #tpu.memory_space<vmem>>, vector<1x16xf32>,
        %get3A_163 = arith.index_cast %add3A_119 : i32 to index
        %get3A_164 = arith.constant 64 : index
        %get3A_165 = tpu.vector_load %arg11[%get3A_163, %get3A_164] {strides = array<i32>} : memref<128x128xf32, #tpu.memory_space<vmem>>, vector<1x16xf32>,
        %get3A_166 = vector.shape_cast %get3A_165 : vector<1x16xf32> to vector<16xf32>
        %mul3A_167 = arith.mulf %get3A_166, %broadcast_in_dim3A_122 : vector<16xf32>
        %swap3A_168 = arith.index_cast %add3A_119 : i32 to index
        %swap3A_169 = arith.constant 64 : index
        %swap3A_170 = tpu.vector_load %arg11[%swap3A_168, %swap3A_169] {strides = array<i32>} : memref<128x128xf32, #tpu.memory_space<vmem>>, vector<1x16xf32>,
        %swap3A_171 = vector.shape_cast %swap3A_170 : vector<1x16xf32> to vector<16xf32>
        %swap3A_172 = vector.shape_cast %mul3A_167 : vector<16xf32> to vector<1x16xf32>
        tpu.vector_store %arg11[%swap3A_168, %swap3A_169], %swap3A_172 {strides = array<i32>} : memref<128x128xf32, #tpu.memory_space<vmem>>, vector<1x16xf32>,
        %get3A_173 = arith.index_cast %add3A_119 : i32 to index
        %get3A_174 = arith.constant 80 : index
        %get3A_175 = tpu.vector_load %arg11[%get3A_173, %get3A_174] {strides = array<i32>} : memref<128x128xf32, #tpu.memory_space<vmem>>, vector<1x16xf32>,
        %get3A_176 = vector.shape_cast %get3A_175 : vector<1x16xf32> to vector<16xf32>
        %mul3A_177 = arith.mulf %get3A_176, %broadcast_in_dim3A_122 : vector<16xf32>
        %swap3A_178 = arith.index_cast %add3A_119 : i32 to index
        %swap3A_179 = arith.constant 80 : index
        %swap3A_180 = tpu.vector_load %arg11[%swap3A_178, %swap3A_179] {strides = array<i32>} : memref<128x128xf32, #tpu.memory_space<vmem>>, vector<1x16xf32>,
        %swap3A_181 = vector.shape_cast %swap3A_180 : vector<1x16xf32> to vector<16xf32>
        %swap3A_182 = vector.shape_cast %mul3A_177 : vector<16xf32> to vector<1x16xf32>
        tpu.vector_store %arg11[%swap3A_178, %swap3A_179], %swap3A_182 {strides = array<i32>} : memref<128x128xf32, #tpu.memory_space<vmem>>, vector<1x16xf32>,
        %get3A_183 = arith.index_cast %add3A_119 : i32 to index
        %get3A_184 = arith.constant 96 : index
        %get3A_185 = tpu.vector_load %arg11[%get3A_183, %get3A_184] {strides = array<i32>} : memref<128x128xf32, #tpu.memory_space<vmem>>, vector<1x16xf32>,
        %get3A_186 = vector.shape_cast %get3A_185 : vector<1x16xf32> to vector<16xf32>
        %mul3A_187 = arith.mulf %get3A_186, %broadcast_in_dim3A_122 : vector<16xf32>
        %swap3A_188 = arith.index_cast %add3A_119 : i32 to index
        %swap3A_189 = arith.constant 96 : index
        %swap3A_190 = tpu.vector_load %arg11[%swap3A_188, %swap3A_189] {strides = array<i32>} : memref<128x128xf32, #tpu.memory_space<vmem>>, vector<1x16xf32>,
        %swap3A_191 = vector.shape_cast %swap3A_190 : vector<1x16xf32> to vector<16xf32>
        %swap3A_192 = vector.shape_cast %mul3A_187 : vector<16xf32> to vector<1x16xf32>
        tpu.vector_store %arg11[%swap3A_188, %swap3A_189], %swap3A_192 {strides = array<i32>} : memref<128x128xf32, #tpu.memory_space<vmem>>, vector<1x16xf32>,
        %get3A_193 = arith.index_cast %add3A_119 : i32 to index
        %get3A_194 = arith.constant 112 : index
        %get3A_195 = tpu.vector_load %arg11[%get3A_193, %get3A_194] {strides = array<i32>} : memref<128x128xf32, #tpu.memory_space<vmem>>, vector<1x16xf32>,
        %get3A_196 = vector.shape_cast %get3A_195 : vector<1x16xf32> to vector<16xf32>
        %mul3A_197 = arith.mulf %get3A_196, %broadcast_in_dim3A_122 : vector<16xf32>
        %swap3A_198 = arith.index_cast %add3A_119 : i32 to index
        %swap3A_199 = arith.constant 112 : index
        %swap3A_200 = tpu.vector_load %arg11[%swap3A_198, %swap3A_199] {strides = array<i32>} : memref<128x128xf32, #tpu.memory_space<vmem>>, vector<1x16xf32>,
        %swap3A_201 = vector.shape_cast %swap3A_200 : vector<1x16xf32> to vector<16xf32>
        %swap3A_202 = vector.shape_cast %mul3A_197 : vector<16xf32> to vector<1x16xf32>
        tpu.vector_store %arg11[%swap3A_198, %swap3A_199], %swap3A_202 {strides = array<i32>} : memref<128x128xf32, #tpu.memory_space<vmem>>, vector<1x16xf32>,
        %add3A_203 = arith.constant 2 : i32
        %add3A_204 = arith.addi %mul3A_33, %add3A_203 : i32
        %slice3A_205 = vector.extract_strided_slice %get3A_36 {offsets = [2], sizes = [1], strides = [1]} : vector<16xf32> to vector<1xf32>
        %squeeze3A_206 = vector.extract %slice3A_205[0] : f32 from vector<1xf32>
        %broadcast_in_dim3A_207 = vector.broadcast %squeeze3A_206 : f32 to vector<16xf32>
        %get3A_208 = arith.index_cast %add3A_204 : i32 to index
        %get3A_209 = arith.constant 0 : index
        %get3A_210 = tpu.vector_load %arg11[%get3A_208, %get3A_209] {strides = array<i32>} : memref<128x128xf32, #tpu.memory_space<vmem>>, vector<1x16xf32>,
        %get3A_211 = vector.shape_cast %get3A_210 : vector<1x16xf32> to vector<16xf32>
        %mul3A_212 = arith.mulf %get3A_211, %broadcast_in_dim3A_207 : vector<16xf32>
        %swap3A_213 = arith.index_cast %add3A_204 : i32 to index
        %swap3A_214 = arith.constant 0 : index
        %swap3A_215 = tpu.vector_load %arg11[%swap3A_213, %swap3A_214] {strides = array<i32>} : memref<128x128xf32, #tpu.memory_space<vmem>>, vector<1x16xf32>,
        %swap3A_216 = vector.shape_cast %swap3A_215 : vector<1x16xf32> to vector<16xf32>
        %swap3A_217 = vector.shape_cast %mul3A_212 : vector<16xf32> to vector<1x16xf32>
        tpu.vector_store %arg11[%swap3A_213, %swap3A_214], %swap3A_217 {strides = array<i32>} : memref<128x128xf32, #tpu.memory_space<vmem>>, vector<1x16xf32>,
        %get3A_218 = arith.index_cast %add3A_204 : i32 to index
        %get3A_219 = arith.constant 16 : index
        %get3A_220 = tpu.vector_load %arg11[%get3A_218, %get3A_219] {strides = array<i32>} : memref<128x128xf32, #tpu.memory_space<vmem>>, vector<1x16xf32>,
        %get3A_221 = vector.shape_cast %get3A_220 : vector<1x16xf32> to vector<16xf32>
        %mul3A_222 = arith.mulf %get3A_221, %broadcast_in_dim3A_207 : vector<16xf32>
        %swap3A_223 = arith.index_cast %add3A_204 : i32 to index
        %swap3A_224 = arith.constant 16 : index
        %swap3A_225 = tpu.vector_load %arg11[%swap3A_223, %swap3A_224] {strides = array<i32>} : memref<128x128xf32, #tpu.memory_space<vmem>>, vector<1x16xf32>,
        %swap3A_226 = vector.shape_cast %swap3A_225 : vector<1x16xf32> to vector<16xf32>
        %swap3A_227 = vector.shape_cast %mul3A_222 : vector<16xf32> to vector<1x16xf32>
        tpu.vector_store %arg11[%swap3A_223, %swap3A_224], %swap3A_227 {strides = array<i32>} : memref<128x128xf32, #tpu.memory_space<vmem>>, vector<1x16xf32>,
        %get3A_228 = arith.index_cast %add3A_204 : i32 to index
        %get3A_229 = arith.constant 32 : index
        %get3A_230 = tpu.vector_load %arg11[%get3A_228, %get3A_229] {strides = array<i32>} : memref<128x128xf32, #tpu.memory_space<vmem>>, vector<1x16xf32>,
        %get3A_231 = vector.shape_cast %get3A_230 : vector<1x16xf32> to vector<16xf32>
        %mul3A_232 = arith.mulf %get3A_231, %broadcast_in_dim3A_207 : vector<16xf32>
        %swap3A_233 = arith.index_cast %add3A_204 : i32 to index
        %swap3A_234 = arith.constant 32 : index
        %swap3A_235 = tpu.vector_load %arg11[%swap3A_233, %swap3A_234] {strides = array<i32>} : memref<128x128xf32, #tpu.memory_space<vmem>>, vector<1x16xf32>,
        %swap3A_236 = vector.shape_cast %swap3A_235 : vector<1x16xf32> to vector<16xf32>
        %swap3A_237 = vector.shape_cast %mul3A_232 : vector<16xf32> to vector<1x16xf32>
        tpu.vector_store %arg11[%swap3A_233, %swap3A_234], %swap3A_237 {strides = array<i32>} : memref<128x128xf32, #tpu.memory_space<vmem>>, vector<1x16xf32>,
        %get3A_238 = arith.index_cast %add3A_204 : i32 to index
        %get3A_239 = arith.constant 48 : index
        %get3A_240 = tpu.vector_load %arg11[%get3A_238, %get3A_239] {strides = array<i32>} : memref<128x128xf32, #tpu.memory_space<vmem>>, vector<1x16xf32>,
        %get3A_241 = vector.shape_cast %get3A_240 : vector<1x16xf32> to vector<16xf32>
        %mul3A_242 = arith.mulf %get3A_241, %broadcast_in_dim3A_207 : vector<16xf32>
        %swap3A_243 = arith.index_cast %add3A_204 : i32 to index
        %swap3A_244 = arith.constant 48 : index
        %swap3A_245 = tpu.vector_load %arg11[%swap3A_243, %swap3A_244] {strides = array<i32>} : memref<128x128xf32, #tpu.memory_space<vmem>>, vector<1x16xf32>,
        %swap3A_246 = vector.shape_cast %swap3A_245 : vector<1x16xf32> to vector<16xf32>
        %swap3A_247 = vector.shape_cast %mul3A_242 : vector<16xf32> to vector<1x16xf32>
        tpu.vector_store %arg11[%swap3A_243, %swap3A_244], %swap3A_247 {strides = array<i32>} : memref<128x128xf32, #tpu.memory_space<vmem>>, vector<1x16xf32>,
        %get3A_248 = arith.index_cast %add3A_204 : i32 to index
        %get3A_249 = arith.constant 64 : index
        %get3A_250 = tpu.vector_load %arg11[%get3A_248, %get3A_249] {strides = array<i32>} : memref<128x128xf32, #tpu.memory_space<vmem>>, vector<1x16xf32>,
        %get3A_251 = vector.shape_cast %get3A_250 : vector<1x16xf32> to vector<16xf32>
        %mul3A_252 = arith.mulf %get3A_251, %broadcast_in_dim3A_207 : vector<16xf32>
        %swap3A_253 = arith.index_cast %add3A_204 : i32 to index
        %swap3A_254 = arith.constant 64 : index
        %swap3A_255 = tpu.vector_load %arg11[%swap3A_253, %swap3A_254] {strides = array<i32>} : memref<128x128xf32, #tpu.memory_space<vmem>>, vector<1x16xf32>,
        %swap3A_256 = vector.shape_cast %swap3A_255 : vector<1x16xf32> to vector<16xf32>
        %swap3A_257 = vector.shape_cast %mul3A_252 : vector<16xf32> to vector<1x16xf32>
        tpu.vector_store %arg11[%swap3A_253, %swap3A_254], %swap3A_257 {strides = array<i32>} : memref<128x128xf32, #tpu.memory_space<vmem>>, vector<1x16xf32>,
        %get3A_258 = arith.index_cast %add3A_204 : i32 to index
        %get3A_259 = arith.constant 80 : index
        %get3A_260 = tpu.vector_load %arg11[%get3A_258, %get3A_259] {strides = array<i32>} : memref<128x128xf32, #tpu.memory_space<vmem>>, vector<1x16xf32>,
        %get3A_261 = vector.shape_cast %get3A_260 : vector<1x16xf32> to vector<16xf32>
        %mul3A_262 = arith.mulf %get3A_261, %broadcast_in_dim3A_207 : vector<16xf32>
        %swap3A_263 = arith.index_cast %add3A_204 : i32 to index
        %swap3A_264 = arith.constant 80 : index
        %swap3A_265 = tpu.vector_load %arg11[%swap3A_263, %swap3A_264] {strides = array<i32>} : memref<128x128xf32, #tpu.memory_space<vmem>>, vector<1x16xf32>,
        %swap3A_266 = vector.shape_cast %swap3A_265 : vector<1x16xf32> to vector<16xf32>
        %swap3A_267 = vector.shape_cast %mul3A_262 : vector<16xf32> to vector<1x16xf32>
        tpu.vector_store %arg11[%swap3A_263, %swap3A_264], %swap3A_267 {strides = array<i32>} : memref<128x128xf32, #tpu.memory_space<vmem>>, vector<1x16xf32>,
        %get3A_268 = arith.index_cast %add3A_204 : i32 to index
        %get3A_269 = arith.constant 96 : index
        %get3A_270 = tpu.vector_load %arg11[%get3A_268, %get3A_269] {strides = array<i32>} : memref<128x128xf32, #tpu.memory_space<vmem>>, vector<1x16xf32>,
        %get3A_271 = vector.shape_cast %get3A_270 : vector<1x16xf32> to vector<16xf32>
        %mul3A_272 = arith.mulf %get3A_271, %broadcast_in_dim3A_207 : vector<16xf32>
        %swap3A_273 = arith.index_cast %add3A_204 : i32 to index
        %swap3A_274 = arith.constant 96 : index
        %swap3A_275 = tpu.vector_load %arg11[%swap3A_273, %swap3A_274] {strides = array<i32>} : memref<128x128xf32, #tpu.memory_space<vmem>>, vector<1x16xf32>,
        %swap3A_276 = vector.shape_cast %swap3A_275 : vector<1x16xf32> to vector<16xf32>
        %swap3A_277 = vector.shape_cast %mul3A_272 : vector<16xf32> to vector<1x16xf32>
        tpu.vector_store %arg11[%swap3A_273, %swap3A_274], %swap3A_277 {strides = array<i32>} : memref<128x128xf32, #tpu.memory_space<vmem>>, vector<1x16xf32>,
        %get3A_278 = arith.index_cast %add3A_204 : i32 to index
        %get3A_279 = arith.constant 112 : index
        %get3A_280 = tpu.vector_load %arg11[%get3A_278, %get3A_279] {strides = array<i32>} : memref<128x128xf32, #tpu.memory_space<vmem>>, vector<1x16xf32>,
        %get3A_281 = vector.shape_cast %get3A_280 : vector<1x16xf32> to vector<16xf32>
        %mul3A_282 = arith.mulf %get3A_281, %broadcast_in_dim3A_207 : vector<16xf32>
        %swap3A_283 = arith.index_cast %add3A_204 : i32 to index
        %swap3A_284 = arith.constant 112 : index
        %swap3A_285 = tpu.vector_load %arg11[%swap3A_283, %swap3A_284] {strides = array<i32>} : memref<128x128xf32, #tpu.memory_space<vmem>>, vector<1x16xf32>,
        %swap3A_286 = vector.shape_cast %swap3A_285 : vector<1x16xf32> to vector<16xf32>
        %swap3A_287 = vector.shape_cast %mul3A_282 : vector<16xf32> to vector<1x16xf32>
        tpu.vector_store %arg11[%swap3A_283, %swap3A_284], %swap3A_287 {strides = array<i32>} : memref<128x128xf32, #tpu.memory_space<vmem>>, vector<1x16xf32>,
        %add3A_288 = arith.constant 3 : i32
        %add3A_289 = arith.addi %mul3A_33, %add3A_288 : i32
        %slice3A_290 = vector.extract_strided_slice %get3A_36 {offsets = [3], sizes = [1], strides = [1]} : vector<16xf32> to vector<1xf32>
        %squeeze3A_291 = vector.extract %slice3A_290[0] : f32 from vector<1xf32>
        %broadcast_in_dim3A_292 = vector.broadcast %squeeze3A_291 : f32 to vector<16xf32>
        %get3A_293 = arith.index_cast %add3A_289 : i32 to index
        %get3A_294 = arith.constant 0 : index
        %get3A_295 = tpu.vector_load %arg11[%get3A_293, %get3A_294] {strides = array<i32>} : memref<128x128xf32, #tpu.memory_space<vmem>>, vector<1x16xf32>,
        %get3A_296 = vector.shape_cast %get3A_295 : vector<1x16xf32> to vector<16xf32>
        %mul3A_297 = arith.mulf %get3A_296, %broadcast_in_dim3A_292 : vector<16xf32>
        %swap3A_298 = arith.index_cast %add3A_289 : i32 to index
        %swap3A_299 = arith.constant 0 : index
        %swap3A_300 = tpu.vector_load %arg11[%swap3A_298, %swap3A_299] {strides = array<i32>} : memref<128x128xf32, #tpu.memory_space<vmem>>, vector<1x16xf32>,
        %swap3A_301 = vector.shape_cast %swap3A_300 : vector<1x16xf32> to vector<16xf32>
        %swap3A_302 = vector.shape_cast %mul3A_297 : vector<16xf32> to vector<1x16xf32>
        tpu.vector_store %arg11[%swap3A_298, %swap3A_299], %swap3A_302 {strides = array<i32>} : memref<128x128xf32, #tpu.memory_space<vmem>>, vector<1x16xf32>,
        %get3A_303 = arith.index_cast %add3A_289 : i32 to index
        %get3A_304 = arith.constant 16 : index
        %get3A_305 = tpu.vector_load %arg11[%get3A_303, %get3A_304] {strides = array<i32>} : memref<128x128xf32, #tpu.memory_space<vmem>>, vector<1x16xf32>,
        %get3A_306 = vector.shape_cast %get3A_305 : vector<1x16xf32> to vector<16xf32>
        %mul3A_307 = arith.mulf %get3A_306, %broadcast_in_dim3A_292 : vector<16xf32>
        %swap3A_308 = arith.index_cast %add3A_289 : i32 to index
        %swap3A_309 = arith.constant 16 : index
        %swap3A_310 = tpu.vector_load %arg11[%swap3A_308, %swap3A_309] {strides = array<i32>} : memref<128x128xf32, #tpu.memory_space<vmem>>, vector<1x16xf32>,
        %swap3A_311 = vector.shape_cast %swap3A_310 : vector<1x16xf32> to vector<16xf32>
        %swap3A_312 = vector.shape_cast %mul3A_307 : vector<16xf32> to vector<1x16xf32>
        tpu.vector_store %arg11[%swap3A_308, %swap3A_309], %swap3A_312 {strides = array<i32>} : memref<128x128xf32, #tpu.memory_space<vmem>>, vector<1x16xf32>,
        %get3A_313 = arith.index_cast %add3A_289 : i32 to index
        %get3A_314 = arith.constant 32 : index
        %get3A_315 = tpu.vector_load %arg11[%get3A_313, %get3A_314] {strides = array<i32>} : memref<128x128xf32, #tpu.memory_space<vmem>>, vector<1x16xf32>,
        %get3A_316 = vector.shape_cast %get3A_315 : vector<1x16xf32> to vector<16xf32>
        %mul3A_317 = arith.mulf %get3A_316, %broadcast_in_dim3A_292 : vector<16xf32>
        %swap3A_318 = arith.index_cast %add3A_289 : i32 to index
        %swap3A_319 = arith.constant 32 : index
        %swap3A_320 = tpu.vector_load %arg11[%swap3A_318, %swap3A_319] {strides = array<i32>} : memref<128x128xf32, #tpu.memory_space<vmem>>, vector<1x16xf32>,
        %swap3A_321 = vector.shape_cast %swap3A_320 : vector<1x16xf32> to vector<16xf32>
        %swap3A_322 = vector.shape_cast %mul3A_317 : vector<16xf32> to vector<1x16xf32>
        tpu.vector_store %arg11[%swap3A_318, %swap3A_319], %swap3A_322 {strides = array<i32>} : memref<128x128xf32, #tpu.memory_space<vmem>>, vector<1x16xf32>,
        %get3A_323 = arith.index_cast %add3A_289 : i32 to index
        %get3A_324 = arith.constant 48 : index
        %get3A_325 = tpu.vector_load %arg11[%get3A_323, %get3A_324] {strides = array<i32>} : memref<128x128xf32, #tpu.memory_space<vmem>>, vector<1x16xf32>,
        %get3A_326 = vector.shape_cast %get3A_325 : vector<1x16xf32> to vector<16xf32>
        %mul3A_327 = arith.mulf %get3A_326, %broadcast_in_dim3A_292 : vector<16xf32>
        %swap3A_328 = arith.index_cast %add3A_289 : i32 to index
        %swap3A_329 = arith.constant 48 : index
        %swap3A_330 = tpu.vector_load %arg11[%swap3A_328, %swap3A_329] {strides = array<i32>} : memref<128x128xf32, #tpu.memory_space<vmem>>, vector<1x16xf32>,
        %swap3A_331 = vector.shape_cast %swap3A_330 : vector<1x16xf32> to vector<16xf32>
        %swap3A_332 = vector.shape_cast %mul3A_327 : vector<16xf32> to vector<1x16xf32>
        tpu.vector_store %arg11[%swap3A_328, %swap3A_329], %swap3A_332 {strides = array<i32>} : memref<128x128xf32, #tpu.memory_space<vmem>>, vector<1x16xf32>,
        %get3A_333 = arith.index_cast %add3A_289 : i32 to index
        %get3A_334 = arith.constant 64 : index
        %get3A_335 = tpu.vector_load %arg11[%get3A_333, %get3A_334] {strides = array<i32>} : memref<128x128xf32, #tpu.memory_space<vmem>>, vector<1x16xf32>,
        %get3A_336 = vector.shape_cast %get3A_335 : vector<1x16xf32> to vector<16xf32>
        %mul3A_337 = arith.mulf %get3A_336, %broadcast_in_dim3A_292 : vector<16xf32>
        %swap3A_338 = arith.index_cast %add3A_289 : i32 to index
        %swap3A_339 = arith.constant 64 : index
        %swap3A_340 = tpu.vector_load %arg11[%swap3A_338, %swap3A_339] {strides = array<i32>} : memref<128x128xf32, #tpu.memory_space<vmem>>, vector<1x16xf32>,
        %swap3A_341 = vector.shape_cast %swap3A_340 : vector<1x16xf32> to vector<16xf32>
        %swap3A_342 = vector.shape_cast %mul3A_337 : vector<16xf32> to vector<1x16xf32>
        tpu.vector_store %arg11[%swap3A_338, %swap3A_339], %swap3A_342 {strides = array<i32>} : memref<128x128xf32, #tpu.memory_space<vmem>>, vector<1x16xf32>,
        %get3A_343 = arith.index_cast %add3A_289 : i32 to index
        %get3A_344 = arith.constant 80 : index
        %get3A_345 = tpu.vector_load %arg11[%get3A_343, %get3A_344] {strides = array<i32>} : memref<128x128xf32, #tpu.memory_space<vmem>>, vector<1x16xf32>,
        %get3A_346 = vector.shape_cast %get3A_345 : vector<1x16xf32> to vector<16xf32>
        %mul3A_347 = arith.mulf %get3A_346, %broadcast_in_dim3A_292 : vector<16xf32>
        %swap3A_348 = arith.index_cast %add3A_289 : i32 to index
        %swap3A_349 = arith.constant 80 : index
        %swap3A_350 = tpu.vector_load %arg11[%swap3A_348, %swap3A_349] {strides = array<i32>} : memref<128x128xf32, #tpu.memory_space<vmem>>, vector<1x16xf32>,
        %swap3A_351 = vector.shape_cast %swap3A_350 : vector<1x16xf32> to vector<16xf32>
        %swap3A_352 = vector.shape_cast %mul3A_347 : vector<16xf32> to vector<1x16xf32>
        tpu.vector_store %arg11[%swap3A_348, %swap3A_349], %swap3A_352 {strides = array<i32>} : memref<128x128xf32, #tpu.memory_space<vmem>>, vector<1x16xf32>,
        %get3A_353 = arith.index_cast %add3A_289 : i32 to index
        %get3A_354 = arith.constant 96 : index
        %get3A_355 = tpu.vector_load %arg11[%get3A_353, %get3A_354] {strides = array<i32>} : memref<128x128xf32, #tpu.memory_space<vmem>>, vector<1x16xf32>,
        %get3A_356 = vector.shape_cast %get3A_355 : vector<1x16xf32> to vector<16xf32>
        %mul3A_357 = arith.mulf %get3A_356, %broadcast_in_dim3A_292 : vector<16xf32>
        %swap3A_358 = arith.index_cast %add3A_289 : i32 to index
        %swap3A_359 = arith.constant 96 : index
        %swap3A_360 = tpu.vector_load %arg11[%swap3A_358, %swap3A_359] {strides = array<i32>} : memref<128x128xf32, #tpu.memory_space<vmem>>, vector<1x16xf32>,
        %swap3A_361 = vector.shape_cast %swap3A_360 : vector<1x16xf32> to vector<16xf32>
        %swap3A_362 = vector.shape_cast %mul3A_357 : vector<16xf32> to vector<1x16xf32>
        tpu.vector_store %arg11[%swap3A_358, %swap3A_359], %swap3A_362 {strides = array<i32>} : memref<128x128xf32, #tpu.memory_space<vmem>>, vector<1x16xf32>,
        %get3A_363 = arith.index_cast %add3A_289 : i32 to index
        %get3A_364 = arith.constant 112 : index
        %get3A_365 = tpu.vector_load %arg11[%get3A_363, %get3A_364] {strides = array<i32>} : memref<128x128xf32, #tpu.memory_space<vmem>>, vector<1x16xf32>,
        %get3A_366 = vector.shape_cast %get3A_365 : vector<1x16xf32> to vector<16xf32>
        %mul3A_367 = arith.mulf %get3A_366, %broadcast_in_dim3A_292 : vector<16xf32>
        %swap3A_368 = arith.index_cast %add3A_289 : i32 to index
        %swap3A_369 = arith.constant 112 : index
        %swap3A_370 = tpu.vector_load %arg11[%swap3A_368, %swap3A_369] {strides = array<i32>} : memref<128x128xf32, #tpu.memory_space<vmem>>, vector<1x16xf32>,
        %swap3A_371 = vector.shape_cast %swap3A_370 : vector<1x16xf32> to vector<16xf32>
        %swap3A_372 = vector.shape_cast %mul3A_367 : vector<16xf32> to vector<1x16xf32>
        tpu.vector_store %arg11[%swap3A_368, %swap3A_369], %swap3A_372 {strides = array<i32>} : memref<128x128xf32, #tpu.memory_space<vmem>>, vector<1x16xf32>,
        %add3A_373 = arith.constant 4 : i32
        %add3A_374 = arith.addi %mul3A_33, %add3A_373 : i32
        %slice3A_375 = vector.extract_strided_slice %get3A_36 {offsets = [4], sizes = [1], strides = [1]} : vector<16xf32> to vector<1xf32>
        %squeeze3A_376 = vector.extract %slice3A_375[0] : f32 from vector<1xf32>
        %broadcast_in_dim3A_377 = vector.broadcast %squeeze3A_376 : f32 to vector<16xf32>
        %get3A_378 = arith.index_cast %add3A_374 : i32 to index
        %get3A_379 = arith.constant 0 : index
        %get3A_380 = tpu.vector_load %arg11[%get3A_378, %get3A_379] {strides = array<i32>} : memref<128x128xf32, #tpu.memory_space<vmem>>, vector<1x16xf32>,
        %get3A_381 = vector.shape_cast %get3A_380 : vector<1x16xf32> to vector<16xf32>
        %mul3A_382 = arith.mulf %get3A_381, %broadcast_in_dim3A_377 : vector<16xf32>
        %swap3A_383 = arith.index_cast %add3A_374 : i32 to index
        %swap3A_384 = arith.constant 0 : index
        %swap3A_385 = tpu.vector_load %arg11[%swap3A_383, %swap3A_384] {strides = array<i32>} : memref<128x128xf32, #tpu.memory_space<vmem>>, vector<1x16xf32>,
        %swap3A_386 = vector.shape_cast %swap3A_385 : vector<1x16xf32> to vector<16xf32>
        %swap3A_387 = vector.shape_cast %mul3A_382 : vector<16xf32> to vector<1x16xf32>
        tpu.vector_store %arg11[%swap3A_383, %swap3A_384], %swap3A_387 {strides = array<i32>} : memref<128x128xf32, #tpu.memory_space<vmem>>, vector<1x16xf32>,
        %get3A_388 = arith.index_cast %add3A_374 : i32 to index
        %get3A_389 = arith.constant 16 : index
        %get3A_390 = tpu.vector_load %arg11[%get3A_388, %get3A_389] {strides = array<i32>} : memref<128x128xf32, #tpu.memory_space<vmem>>, vector<1x16xf32>,
        %get3A_391 = vector.shape_cast %get3A_390 : vector<1x16xf32> to vector<16xf32>
        %mul3A_392 = arith.mulf %get3A_391, %broadcast_in_dim3A_377 : vector<16xf32>
        %swap3A_393 = arith.index_cast %add3A_374 : i32 to index
        %swap3A_394 = arith.constant 16 : index
        %swap3A_395 = tpu.vector_load %arg11[%swap3A_393, %swap3A_394] {strides = array<i32>} : memref<128x128xf32, #tpu.memory_space<vmem>>, vector<1x16xf32>,
        %swap3A_396 = vector.shape_cast %swap3A_395 : vector<1x16xf32> to vector<16xf32>
        %swap3A_397 = vector.shape_cast %mul3A_392 : vector<16xf32> to vector<1x16xf32>
        tpu.vector_store %arg11[%swap3A_393, %swap3A_394], %swap3A_397 {strides = array<i32>} : memref<128x128xf32, #tpu.memory_space<vmem>>, vector<1x16xf32>,
        %get3A_398 = arith.index_cast %add3A_374 : i32 to index
        %get3A_399 = arith.constant 32 : index
        %get3A_400 = tpu.vector_load %arg11[%get3A_398, %get3A_399] {strides = array<i32>} : memref<128x128xf32, #tpu.memory_space<vmem>>, vector<1x16xf32>,
        %get3A_401 = vector.shape_cast %get3A_400 : vector<1x16xf32> to vector<16xf32>
        %mul3A_402 = arith.mulf %get3A_401, %broadcast_in_dim3A_377 : vector<16xf32>
        %swap3A_403 = arith.index_cast %add3A_374 : i32 to index
        %swap3A_404 = arith.constant 32 : index
        %swap3A_405 = tpu.vector_load %arg11[%swap3A_403, %swap3A_404] {strides = array<i32>} : memref<128x128xf32, #tpu.memory_space<vmem>>, vector<1x16xf32>,
        %swap3A_406 = vector.shape_cast %swap3A_405 : vector<1x16xf32> to vector<16xf32>
        %swap3A_407 = vector.shape_cast %mul3A_402 : vector<16xf32> to vector<1x16xf32>
        tpu.vector_store %arg11[%swap3A_403, %swap3A_404], %swap3A_407 {strides = array<i32>} : memref<128x128xf32, #tpu.memory_space<vmem>>, vector<1x16xf32>,
        %get3A_408 = arith.index_cast %add3A_374 : i32 to index
        %get3A_409 = arith.constant 48 : index
        %get3A_410 = tpu.vector_load %arg11[%get3A_408, %get3A_409] {strides = array<i32>} : memref<128x128xf32, #tpu.memory_space<vmem>>, vector<1x16xf32>,
        %get3A_411 = vector.shape_cast %get3A_410 : vector<1x16xf32> to vector<16xf32>
        %mul3A_412 = arith.mulf %get3A_411, %broadcast_in_dim3A_377 : vector<16xf32>
        %swap3A_413 = arith.index_cast %add3A_374 : i32 to index
        %swap3A_414 = arith.constant 48 : index
        %swap3A_415 = tpu.vector_load %arg11[%swap3A_413, %swap3A_414] {strides = array<i32>} : memref<128x128xf32, #tpu.memory_space<vmem>>, vector<1x16xf32>,
        %swap3A_416 = vector.shape_cast %swap3A_415 : vector<1x16xf32> to vector<16xf32>
        %swap3A_417 = vector.shape_cast %mul3A_412 : vector<16xf32> to vector<1x16xf32>
        tpu.vector_store %arg11[%swap3A_413, %swap3A_414], %swap3A_417 {strides = array<i32>} : memref<128x128xf32, #tpu.memory_space<vmem>>, vector<1x16xf32>,
        %get3A_418 = arith.index_cast %add3A_374 : i32 to index
        %get3A_419 = arith.constant 64 : index
        %get3A_420 = tpu.vector_load %arg11[%get3A_418, %get3A_419] {strides = array<i32>} : memref<128x128xf32, #tpu.memory_space<vmem>>, vector<1x16xf32>,
        %get3A_421 = vector.shape_cast %get3A_420 : vector<1x16xf32> to vector<16xf32>
        %mul3A_422 = arith.mulf %get3A_421, %broadcast_in_dim3A_377 : vector<16xf32>
        %swap3A_423 = arith.index_cast %add3A_374 : i32 to index
        %swap3A_424 = arith.constant 64 : index
        %swap3A_425 = tpu.vector_load %arg11[%swap3A_423, %swap3A_424] {strides = array<i32>} : memref<128x128xf32, #tpu.memory_space<vmem>>, vector<1x16xf32>,
        %swap3A_426 = vector.shape_cast %swap3A_425 : vector<1x16xf32> to vector<16xf32>
        %swap3A_427 = vector.shape_cast %mul3A_422 : vector<16xf32> to vector<1x16xf32>
        tpu.vector_store %arg11[%swap3A_423, %swap3A_424], %swap3A_427 {strides = array<i32>} : memref<128x128xf32, #tpu.memory_space<vmem>>, vector<1x16xf32>,
        %get3A_428 = arith.index_cast %add3A_374 : i32 to index
        %get3A_429 = arith.constant 80 : index
        %get3A_430 = tpu.vector_load %arg11[%get3A_428, %get3A_429] {strides = array<i32>} : memref<128x128xf32, #tpu.memory_space<vmem>>, vector<1x16xf32>,
        %get3A_431 = vector.shape_cast %get3A_430 : vector<1x16xf32> to vector<16xf32>
        %mul3A_432 = arith.mulf %get3A_431, %broadcast_in_dim3A_377 : vector<16xf32>
        %swap3A_433 = arith.index_cast %add3A_374 : i32 to index
        %swap3A_434 = arith.constant 80 : index
        %swap3A_435 = tpu.vector_load %arg11[%swap3A_433, %swap3A_434] {strides = array<i32>} : memref<128x128xf32, #tpu.memory_space<vmem>>, vector<1x16xf32>,
        %swap3A_436 = vector.shape_cast %swap3A_435 : vector<1x16xf32> to vector<16xf32>
        %swap3A_437 = vector.shape_cast %mul3A_432 : vector<16xf32> to vector<1x16xf32>
        tpu.vector_store %arg11[%swap3A_433, %swap3A_434], %swap3A_437 {strides = array<i32>} : memref<128x128xf32, #tpu.memory_space<vmem>>, vector<1x16xf32>,
        %get3A_438 = arith.index_cast %add3A_374 : i32 to index
        %get3A_439 = arith.constant 96 : index
        %get3A_440 = tpu.vector_load %arg11[%get3A_438, %get3A_439] {strides = array<i32>} : memref<128x128xf32, #tpu.memory_space<vmem>>, vector<1x16xf32>,
        %get3A_441 = vector.shape_cast %get3A_440 : vector<1x16xf32> to vector<16xf32>
        %mul3A_442 = arith.mulf %get3A_441, %broadcast_in_dim3A_377 : vector<16xf32>
        %swap3A_443 = arith.index_cast %add3A_374 : i32 to index
        %swap3A_444 = arith.constant 96 : index
        %swap3A_445 = tpu.vector_load %arg11[%swap3A_443, %swap3A_444] {strides = array<i32>} : memref<128x128xf32, #tpu.memory_space<vmem>>, vector<1x16xf32>,
        %swap3A_446 = vector.shape_cast %swap3A_445 : vector<1x16xf32> to vector<16xf32>
        %swap3A_447 = vector.shape_cast %mul3A_442 : vector<16xf32> to vector<1x16xf32>
        tpu.vector_store %arg11[%swap3A_443, %swap3A_444], %swap3A_447 {strides = array<i32>} : memref<128x128xf32, #tpu.memory_space<vmem>>, vector<1x16xf32>,
        %get3A_448 = arith.index_cast %add3A_374 : i32 to index
        %get3A_449 = arith.constant 112 : index
        %get3A_450 = tpu.vector_load %arg11[%get3A_448, %get3A_449] {strides = array<i32>} : memref<128x128xf32, #tpu.memory_space<vmem>>, vector<1x16xf32>,
        %get3A_451 = vector.shape_cast %get3A_450 : vector<1x16xf32> to vector<16xf32>
        %mul3A_452 = arith.mulf %get3A_451, %broadcast_in_dim3A_377 : vector<16xf32>
        %swap3A_453 = arith.index_cast %add3A_374 : i32 to index
        %swap3A_454 = arith.constant 112 : index
        %swap3A_455 = tpu.vector_load %arg11[%swap3A_453, %swap3A_454] {strides = array<i32>} : memref<128x128xf32, #tpu.memory_space<vmem>>, vector<1x16xf32>,
        %swap3A_456 = vector.shape_cast %swap3A_455 : vector<1x16xf32> to vector<16xf32>
        %swap3A_457 = vector.shape_cast %mul3A_452 : vector<16xf32> to vector<1x16xf32>
        tpu.vector_store %arg11[%swap3A_453, %swap3A_454], %swap3A_457 {strides = array<i32>} : memref<128x128xf32, #tpu.memory_space<vmem>>, vector<1x16xf32>,
        %add3A_458 = arith.constant 5 : i32
        %add3A_459 = arith.addi %mul3A_33, %add3A_458 : i32
        %slice3A_460 = vector.extract_strided_slice %get3A_36 {offsets = [5], sizes = [1], strides = [1]} : vector<16xf32> to vector<1xf32>
        %squeeze3A_461 = vector.extract %slice3A_460[0] : f32 from vector<1xf32>
        %broadcast_in_dim3A_462 = vector.broadcast %squeeze3A_461 : f32 to vector<16xf32>
        %get3A_463 = arith.index_cast %add3A_459 : i32 to index
        %get3A_464 = arith.constant 0 : index
        %get3A_465 = tpu.vector_load %arg11[%get3A_463, %get3A_464] {strides = array<i32>} : memref<128x128xf32, #tpu.memory_space<vmem>>, vector<1x16xf32>,
        %get3A_466 = vector.shape_cast %get3A_465 : vector<1x16xf32> to vector<16xf32>
        %mul3A_467 = arith.mulf %get3A_466, %broadcast_in_dim3A_462 : vector<16xf32>
        %swap3A_468 = arith.index_cast %add3A_459 : i32 to index
        %swap3A_469 = arith.constant 0 : index
        %swap3A_470 = tpu.vector_load %arg11[%swap3A_468, %swap3A_469] {strides = array<i32>} : memref<128x128xf32, #tpu.memory_space<vmem>>, vector<1x16xf32>,
        %swap3A_471 = vector.shape_cast %swap3A_470 : vector<1x16xf32> to vector<16xf32>
        %swap3A_472 = vector.shape_cast %mul3A_467 : vector<16xf32> to vector<1x16xf32>
        tpu.vector_store %arg11[%swap3A_468, %swap3A_469], %swap3A_472 {strides = array<i32>} : memref<128x128xf32, #tpu.memory_space<vmem>>, vector<1x16xf32>,
        %get3A_473 = arith.index_cast %add3A_459 : i32 to index
        %get3A_474 = arith.constant 16 : index
        %get3A_475 = tpu.vector_load %arg11[%get3A_473, %get3A_474] {strides = array<i32>} : memref<128x128xf32, #tpu.memory_space<vmem>>, vector<1x16xf32>,
        %get3A_476 = vector.shape_cast %get3A_475 : vector<1x16xf32> to vector<16xf32>
        %mul3A_477 = arith.mulf %get3A_476, %broadcast_in_dim3A_462 : vector<16xf32>
        %swap3A_478 = arith.index_cast %add3A_459 : i32 to index
        %swap3A_479 = arith.constant 16 : index
        %swap3A_480 = tpu.vector_load %arg11[%swap3A_478, %swap3A_479] {strides = array<i32>} : memref<128x128xf32, #tpu.memory_space<vmem>>, vector<1x16xf32>,
        %swap3A_481 = vector.shape_cast %swap3A_480 : vector<1x16xf32> to vector<16xf32>
        %swap3A_482 = vector.shape_cast %mul3A_477 : vector<16xf32> to vector<1x16xf32>
        tpu.vector_store %arg11[%swap3A_478, %swap3A_479], %swap3A_482 {strides = array<i32>} : memref<128x128xf32, #tpu.memory_space<vmem>>, vector<1x16xf32>,
        %get3A_483 = arith.index_cast %add3A_459 : i32 to index
        %get3A_484 = arith.constant 32 : index
        %get3A_485 = tpu.vector_load %arg11[%get3A_483, %get3A_484] {strides = array<i32>} : memref<128x128xf32, #tpu.memory_space<vmem>>, vector<1x16xf32>,
        %get3A_486 = vector.shape_cast %get3A_485 : vector<1x16xf32> to vector<16xf32>
        %mul3A_487 = arith.mulf %get3A_486, %broadcast_in_dim3A_462 : vector<16xf32>
        %swap3A_488 = arith.index_cast %add3A_459 : i32 to index
        %swap3A_489 = arith.constant 32 : index
        %swap3A_490 = tpu.vector_load %arg11[%swap3A_488, %swap3A_489] {strides = array<i32>} : memref<128x128xf32, #tpu.memory_space<vmem>>, vector<1x16xf32>,
        %swap3A_491 = vector.shape_cast %swap3A_490 : vector<1x16xf32> to vector<16xf32>
        %swap3A_492 = vector.shape_cast %mul3A_487 : vector<16xf32> to vector<1x16xf32>
        tpu.vector_store %arg11[%swap3A_488, %swap3A_489], %swap3A_492 {strides = array<i32>} : memref<128x128xf32, #tpu.memory_space<vmem>>, vector<1x16xf32>,
        %get3A_493 = arith.index_cast %add3A_459 : i32 to index
        %get3A_494 = arith.constant 48 : index
        %get3A_495 = tpu.vector_load %arg11[%get3A_493, %get3A_494] {strides = array<i32>} : memref<128x128xf32, #tpu.memory_space<vmem>>, vector<1x16xf32>,
        %get3A_496 = vector.shape_cast %get3A_495 : vector<1x16xf32> to vector<16xf32>
        %mul3A_497 = arith.mulf %get3A_496, %broadcast_in_dim3A_462 : vector<16xf32>
        %swap3A_498 = arith.index_cast %add3A_459 : i32 to index
        %swap3A_499 = arith.constant 48 : index
        %swap3A_500 = tpu.vector_load %arg11[%swap3A_498, %swap3A_499] {strides = array<i32>} : memref<128x128xf32, #tpu.memory_space<vmem>>, vector<1x16xf32>,
        %swap3A_501 = vector.shape_cast %swap3A_500 : vector<1x16xf32> to vector<16xf32>
        %swap3A_502 = vector.shape_cast %mul3A_497 : vector<16xf32> to vector<1x16xf32>
        tpu.vector_store %arg11[%swap3A_498, %swap3A_499], %swap3A_502 {strides = array<i32>} : memref<128x128xf32, #tpu.memory_space<vmem>>, vector<1x16xf32>,
        %get3A_503 = arith.index_cast %add3A_459 : i32 to index
        %get3A_504 = arith.constant 64 : index
        %get3A_505 = tpu.vector_load %arg11[%get3A_503, %get3A_504] {strides = array<i32>} : memref<128x128xf32, #tpu.memory_space<vmem>>, vector<1x16xf32>,
        %get3A_506 = vector.shape_cast %get3A_505 : vector<1x16xf32> to vector<16xf32>
        %mul3A_507 = arith.mulf %get3A_506, %broadcast_in_dim3A_462 : vector<16xf32>
        %swap3A_508 = arith.index_cast %add3A_459 : i32 to index
        %swap3A_509 = arith.constant 64 : index
        %swap3A_510 = tpu.vector_load %arg11[%swap3A_508, %swap3A_509] {strides = array<i32>} : memref<128x128xf32, #tpu.memory_space<vmem>>, vector<1x16xf32>,
        %swap3A_511 = vector.shape_cast %swap3A_510 : vector<1x16xf32> to vector<16xf32>
        %swap3A_512 = vector.shape_cast %mul3A_507 : vector<16xf32> to vector<1x16xf32>
        tpu.vector_store %arg11[%swap3A_508, %swap3A_509], %swap3A_512 {strides = array<i32>} : memref<128x128xf32, #tpu.memory_space<vmem>>, vector<1x16xf32>,
        %get3A_513 = arith.index_cast %add3A_459 : i32 to index
        %get3A_514 = arith.constant 80 : index
        %get3A_515 = tpu.vector_load %arg11[%get3A_513, %get3A_514] {strides = array<i32>} : memref<128x128xf32, #tpu.memory_space<vmem>>, vector<1x16xf32>,
        %get3A_516 = vector.shape_cast %get3A_515 : vector<1x16xf32> to vector<16xf32>
        %mul3A_517 = arith.mulf %get3A_516, %broadcast_in_dim3A_462 : vector<16xf32>
        %swap3A_518 = arith.index_cast %add3A_459 : i32 to index
        %swap3A_519 = arith.constant 80 : index
        %swap3A_520 = tpu.vector_load %arg11[%swap3A_518, %swap3A_519] {strides = array<i32>} : memref<128x128xf32, #tpu.memory_space<vmem>>, vector<1x16xf32>,
        %swap3A_521 = vector.shape_cast %swap3A_520 : vector<1x16xf32> to vector<16xf32>
        %swap3A_522 = vector.shape_cast %mul3A_517 : vector<16xf32> to vector<1x16xf32>
        tpu.vector_store %arg11[%swap3A_518, %swap3A_519], %swap3A_522 {strides = array<i32>} : memref<128x128xf32, #tpu.memory_space<vmem>>, vector<1x16xf32>,
        %get3A_523 = arith.index_cast %add3A_459 : i32 to index
        %get3A_524 = arith.constant 96 : index
        %get3A_525 = tpu.vector_load %arg11[%get3A_523, %get3A_524] {strides = array<i32>} : memref<128x128xf32, #tpu.memory_space<vmem>>, vector<1x16xf32>,
        %get3A_526 = vector.shape_cast %get3A_525 : vector<1x16xf32> to vector<16xf32>
        %mul3A_527 = arith.mulf %get3A_526, %broadcast_in_dim3A_462 : vector<16xf32>
        %swap3A_528 = arith.index_cast %add3A_459 : i32 to index
        %swap3A_529 = arith.constant 96 : index
        %swap3A_530 = tpu.vector_load %arg11[%swap3A_528, %swap3A_529] {strides = array<i32>} : memref<128x128xf32, #tpu.memory_space<vmem>>, vector<1x16xf32>,
        %swap3A_531 = vector.shape_cast %swap3A_530 : vector<1x16xf32> to vector<16xf32>
        %swap3A_532 = vector.shape_cast %mul3A_527 : vector<16xf32> to vector<1x16xf32>
        tpu.vector_store %arg11[%swap3A_528, %swap3A_529], %swap3A_532 {strides = array<i32>} : memref<128x128xf32, #tpu.memory_space<vmem>>, vector<1x16xf32>,
        %get3A_533 = arith.index_cast %add3A_459 : i32 to index
        %get3A_534 = arith.constant 112 : index
        %get3A_535 = tpu.vector_load %arg11[%get3A_533, %get3A_534] {strides = array<i32>} : memref<128x128xf32, #tpu.memory_space<vmem>>, vector<1x16xf32>,
        %get3A_536 = vector.shape_cast %get3A_535 : vector<1x16xf32> to vector<16xf32>
        %mul3A_537 = arith.mulf %get3A_536, %broadcast_in_dim3A_462 : vector<16xf32>
        %swap3A_538 = arith.index_cast %add3A_459 : i32 to index
        %swap3A_539 = arith.constant 112 : index
        %swap3A_540 = tpu.vector_load %arg11[%swap3A_538, %swap3A_539] {strides = array<i32>} : memref<128x128xf32, #tpu.memory_space<vmem>>, vector<1x16xf32>,
        %swap3A_541 = vector.shape_cast %swap3A_540 : vector<1x16xf32> to vector<16xf32>
        %swap3A_542 = vector.shape_cast %mul3A_537 : vector<16xf32> to vector<1x16xf32>
        tpu.vector_store %arg11[%swap3A_538, %swap3A_539], %swap3A_542 {strides = array<i32>} : memref<128x128xf32, #tpu.memory_space<vmem>>, vector<1x16xf32>,
        %add3A_543 = arith.constant 6 : i32
        %add3A_544 = arith.addi %mul3A_33, %add3A_543 : i32
        %slice3A_545 = vector.extract_strided_slice %get3A_36 {offsets = [6], sizes = [1], strides = [1]} : vector<16xf32> to vector<1xf32>
        %squeeze3A_546 = vector.extract %slice3A_545[0] : f32 from vector<1xf32>
        %broadcast_in_dim3A_547 = vector.broadcast %squeeze3A_546 : f32 to vector<16xf32>
        %get3A_548 = arith.index_cast %add3A_544 : i32 to index
        %get3A_549 = arith.constant 0 : index
        %get3A_550 = tpu.vector_load %arg11[%get3A_548, %get3A_549] {strides = array<i32>} : memref<128x128xf32, #tpu.memory_space<vmem>>, vector<1x16xf32>,
        %get3A_551 = vector.shape_cast %get3A_550 : vector<1x16xf32> to vector<16xf32>
        %mul3A_552 = arith.mulf %get3A_551, %broadcast_in_dim3A_547 : vector<16xf32>
        %swap3A_553 = arith.index_cast %add3A_544 : i32 to index
        %swap3A_554 = arith.constant 0 : index
        %swap3A_555 = tpu.vector_load %arg11[%swap3A_553, %swap3A_554] {strides = array<i32>} : memref<128x128xf32, #tpu.memory_space<vmem>>, vector<1x16xf32>,
        %swap3A_556 = vector.shape_cast %swap3A_555 : vector<1x16xf32> to vector<16xf32>
        %swap3A_557 = vector.shape_cast %mul3A_552 : vector<16xf32> to vector<1x16xf32>
        tpu.vector_store %arg11[%swap3A_553, %swap3A_554], %swap3A_557 {strides = array<i32>} : memref<128x128xf32, #tpu.memory_space<vmem>>, vector<1x16xf32>,
        %get3A_558 = arith.index_cast %add3A_544 : i32 to index
        %get3A_559 = arith.constant 16 : index
        %get3A_560 = tpu.vector_load %arg11[%get3A_558, %get3A_559] {strides = array<i32>} : memref<128x128xf32, #tpu.memory_space<vmem>>, vector<1x16xf32>,
        %get3A_561 = vector.shape_cast %get3A_560 : vector<1x16xf32> to vector<16xf32>
        %mul3A_562 = arith.mulf %get3A_561, %broadcast_in_dim3A_547 : vector<16xf32>
        %swap3A_563 = arith.index_cast %add3A_544 : i32 to index
        %swap3A_564 = arith.constant 16 : index
        %swap3A_565 = tpu.vector_load %arg11[%swap3A_563, %swap3A_564] {strides = array<i32>} : memref<128x128xf32, #tpu.memory_space<vmem>>, vector<1x16xf32>,
        %swap3A_566 = vector.shape_cast %swap3A_565 : vector<1x16xf32> to vector<16xf32>
        %swap3A_567 = vector.shape_cast %mul3A_562 : vector<16xf32> to vector<1x16xf32>
        tpu.vector_store %arg11[%swap3A_563, %swap3A_564], %swap3A_567 {strides = array<i32>} : memref<128x128xf32, #tpu.memory_space<vmem>>, vector<1x16xf32>,
        %get3A_568 = arith.index_cast %add3A_544 : i32 to index
        %get3A_569 = arith.constant 32 : index
        %get3A_570 = tpu.vector_load %arg11[%get3A_568, %get3A_569] {strides = array<i32>} : memref<128x128xf32, #tpu.memory_space<vmem>>, vector<1x16xf32>,
        %get3A_571 = vector.shape_cast %get3A_570 : vector<1x16xf32> to vector<16xf32>
        %mul3A_572 = arith.mulf %get3A_571, %broadcast_in_dim3A_547 : vector<16xf32>
        %swap3A_573 = arith.index_cast %add3A_544 : i32 to index
        %swap3A_574 = arith.constant 32 : index
        %swap3A_575 = tpu.vector_load %arg11[%swap3A_573, %swap3A_574] {strides = array<i32>} : memref<128x128xf32, #tpu.memory_space<vmem>>, vector<1x16xf32>,
        %swap3A_576 = vector.shape_cast %swap3A_575 : vector<1x16xf32> to vector<16xf32>
        %swap3A_577 = vector.shape_cast %mul3A_572 : vector<16xf32> to vector<1x16xf32>
        tpu.vector_store %arg11[%swap3A_573, %swap3A_574], %swap3A_577 {strides = array<i32>} : memref<128x128xf32, #tpu.memory_space<vmem>>, vector<1x16xf32>,
        %get3A_578 = arith.index_cast %add3A_544 : i32 to index
        %get3A_579 = arith.constant 48 : index
        %get3A_580 = tpu.vector_load %arg11[%get3A_578, %get3A_579] {strides = array<i32>} : memref<128x128xf32, #tpu.memory_space<vmem>>, vector<1x16xf32>,
        %get3A_581 = vector.shape_cast %get3A_580 : vector<1x16xf32> to vector<16xf32>
        %mul3A_582 = arith.mulf %get3A_581, %broadcast_in_dim3A_547 : vector<16xf32>
        %swap3A_583 = arith.index_cast %add3A_544 : i32 to index
        %swap3A_584 = arith.constant 48 : index
        %swap3A_585 = tpu.vector_load %arg11[%swap3A_583, %swap3A_584] {strides = array<i32>} : memref<128x128xf32, #tpu.memory_space<vmem>>, vector<1x16xf32>,
        %swap3A_586 = vector.shape_cast %swap3A_585 : vector<1x16xf32> to vector<16xf32>
        %swap3A_587 = vector.shape_cast %mul3A_582 : vector<16xf32> to vector<1x16xf32>
        tpu.vector_store %arg11[%swap3A_583, %swap3A_584], %swap3A_587 {strides = array<i32>} : memref<128x128xf32, #tpu.memory_space<vmem>>, vector<1x16xf32>,
        %get3A_588 = arith.index_cast %add3A_544 : i32 to index
        %get3A_589 = arith.constant 64 : index
        %get3A_590 = tpu.vector_load %arg11[%get3A_588, %get3A_589] {strides = array<i32>} : memref<128x128xf32, #tpu.memory_space<vmem>>, vector<1x16xf32>,
        %get3A_591 = vector.shape_cast %get3A_590 : vector<1x16xf32> to vector<16xf32>
        %mul3A_592 = arith.mulf %get3A_591, %broadcast_in_dim3A_547 : vector<16xf32>
        %swap3A_593 = arith.index_cast %add3A_544 : i32 to index
        %swap3A_594 = arith.constant 64 : index
        %swap3A_595 = tpu.vector_load %arg11[%swap3A_593, %swap3A_594] {strides = array<i32>} : memref<128x128xf32, #tpu.memory_space<vmem>>, vector<1x16xf32>,
        %swap3A_596 = vector.shape_cast %swap3A_595 : vector<1x16xf32> to vector<16xf32>
        %swap3A_597 = vector.shape_cast %mul3A_592 : vector<16xf32> to vector<1x16xf32>
        tpu.vector_store %arg11[%swap3A_593, %swap3A_594], %swap3A_597 {strides = array<i32>} : memref<128x128xf32, #tpu.memory_space<vmem>>, vector<1x16xf32>,
        %get3A_598 = arith.index_cast %add3A_544 : i32 to index
        %get3A_599 = arith.constant 80 : index
        %get3A_600 = tpu.vector_load %arg11[%get3A_598, %get3A_599] {strides = array<i32>} : memref<128x128xf32, #tpu.memory_space<vmem>>, vector<1x16xf32>,
        %get3A_601 = vector.shape_cast %get3A_600 : vector<1x16xf32> to vector<16xf32>
        %mul3A_602 = arith.mulf %get3A_601, %broadcast_in_dim3A_547 : vector<16xf32>
        %swap3A_603 = arith.index_cast %add3A_544 : i32 to index
        %swap3A_604 = arith.constant 80 : index
        %swap3A_605 = tpu.vector_load %arg11[%swap3A_603, %swap3A_604] {strides = array<i32>} : memref<128x128xf32, #tpu.memory_space<vmem>>, vector<1x16xf32>,
        %swap3A_606 = vector.shape_cast %swap3A_605 : vector<1x16xf32> to vector<16xf32>
        %swap3A_607 = vector.shape_cast %mul3A_602 : vector<16xf32> to vector<1x16xf32>
        tpu.vector_store %arg11[%swap3A_603, %swap3A_604], %swap3A_607 {strides = array<i32>} : memref<128x128xf32, #tpu.memory_space<vmem>>, vector<1x16xf32>,
        %get3A_608 = arith.index_cast %add3A_544 : i32 to index
        %get3A_609 = arith.constant 96 : index
        %get3A_610 = tpu.vector_load %arg11[%get3A_608, %get3A_609] {strides = array<i32>} : memref<128x128xf32, #tpu.memory_space<vmem>>, vector<1x16xf32>,
        %get3A_611 = vector.shape_cast %get3A_610 : vector<1x16xf32> to vector<16xf32>
        %mul3A_612 = arith.mulf %get3A_611, %broadcast_in_dim3A_547 : vector<16xf32>
        %swap3A_613 = arith.index_cast %add3A_544 : i32 to index
        %swap3A_614 = arith.constant 96 : index
        %swap3A_615 = tpu.vector_load %arg11[%swap3A_613, %swap3A_614] {strides = array<i32>} : memref<128x128xf32, #tpu.memory_space<vmem>>, vector<1x16xf32>,
        %swap3A_616 = vector.shape_cast %swap3A_615 : vector<1x16xf32> to vector<16xf32>
        %swap3A_617 = vector.shape_cast %mul3A_612 : vector<16xf32> to vector<1x16xf32>
        tpu.vector_store %arg11[%swap3A_613, %swap3A_614], %swap3A_617 {strides = array<i32>} : memref<128x128xf32, #tpu.memory_space<vmem>>, vector<1x16xf32>,
        %get3A_618 = arith.index_cast %add3A_544 : i32 to index
        %get3A_619 = arith.constant 112 : index
        %get3A_620 = tpu.vector_load %arg11[%get3A_618, %get3A_619] {strides = array<i32>} : memref<128x128xf32, #tpu.memory_space<vmem>>, vector<1x16xf32>,
        %get3A_621 = vector.shape_cast %get3A_620 : vector<1x16xf32> to vector<16xf32>
        %mul3A_622 = arith.mulf %get3A_621, %broadcast_in_dim3A_547 : vector<16xf32>
        %swap3A_623 = arith.index_cast %add3A_544 : i32 to index
        %swap3A_624 = arith.constant 112 : index
        %swap3A_625 = tpu.vector_load %arg11[%swap3A_623, %swap3A_624] {strides = array<i32>} : memref<128x128xf32, #tpu.memory_space<vmem>>, vector<1x16xf32>,
        %swap3A_626 = vector.shape_cast %swap3A_625 : vector<1x16xf32> to vector<16xf32>
        %swap3A_627 = vector.shape_cast %mul3A_622 : vector<16xf32> to vector<1x16xf32>
        tpu.vector_store %arg11[%swap3A_623, %swap3A_624], %swap3A_627 {strides = array<i32>} : memref<128x128xf32, #tpu.memory_space<vmem>>, vector<1x16xf32>,
        %add3A_628 = arith.constant 7 : i32
        %add3A_629 = arith.addi %mul3A_33, %add3A_628 : i32
        %slice3A_630 = vector.extract_strided_slice %get3A_36 {offsets = [7], sizes = [1], strides = [1]} : vector<16xf32> to vector<1xf32>
        %squeeze3A_631 = vector.extract %slice3A_630[0] : f32 from vector<1xf32>
        %broadcast_in_dim3A_632 = vector.broadcast %squeeze3A_631 : f32 to vector<16xf32>
        %get3A_633 = arith.index_cast %add3A_629 : i32 to index
        %get3A_634 = arith.constant 0 : index
        %get3A_635 = tpu.vector_load %arg11[%get3A_633, %get3A_634] {strides = array<i32>} : memref<128x128xf32, #tpu.memory_space<vmem>>, vector<1x16xf32>,
        %get3A_636 = vector.shape_cast %get3A_635 : vector<1x16xf32> to vector<16xf32>
        %mul3A_637 = arith.mulf %get3A_636, %broadcast_in_dim3A_632 : vector<16xf32>
        %swap3A_638 = arith.index_cast %add3A_629 : i32 to index
        %swap3A_639 = arith.constant 0 : index
        %swap3A_640 = tpu.vector_load %arg11[%swap3A_638, %swap3A_639] {strides = array<i32>} : memref<128x128xf32, #tpu.memory_space<vmem>>, vector<1x16xf32>,
        %swap3A_641 = vector.shape_cast %swap3A_640 : vector<1x16xf32> to vector<16xf32>
        %swap3A_642 = vector.shape_cast %mul3A_637 : vector<16xf32> to vector<1x16xf32>
        tpu.vector_store %arg11[%swap3A_638, %swap3A_639], %swap3A_642 {strides = array<i32>} : memref<128x128xf32, #tpu.memory_space<vmem>>, vector<1x16xf32>,
        %get3A_643 = arith.index_cast %add3A_629 : i32 to index
        %get3A_644 = arith.constant 16 : index
        %get3A_645 = tpu.vector_load %arg11[%get3A_643, %get3A_644] {strides = array<i32>} : memref<128x128xf32, #tpu.memory_space<vmem>>, vector<1x16xf32>,
        %get3A_646 = vector.shape_cast %get3A_645 : vector<1x16xf32> to vector<16xf32>
        %mul3A_647 = arith.mulf %get3A_646, %broadcast_in_dim3A_632 : vector<16xf32>
        %swap3A_648 = arith.index_cast %add3A_629 : i32 to index
        %swap3A_649 = arith.constant 16 : index
        %swap3A_650 = tpu.vector_load %arg11[%swap3A_648, %swap3A_649] {strides = array<i32>} : memref<128x128xf32, #tpu.memory_space<vmem>>, vector<1x16xf32>,
        %swap3A_651 = vector.shape_cast %swap3A_650 : vector<1x16xf32> to vector<16xf32>
        %swap3A_652 = vector.shape_cast %mul3A_647 : vector<16xf32> to vector<1x16xf32>
        tpu.vector_store %arg11[%swap3A_648, %swap3A_649], %swap3A_652 {strides = array<i32>} : memref<128x128xf32, #tpu.memory_space<vmem>>, vector<1x16xf32>,
        %get3A_653 = arith.index_cast %add3A_629 : i32 to index
        %get3A_654 = arith.constant 32 : index
        %get3A_655 = tpu.vector_load %arg11[%get3A_653, %get3A_654] {strides = array<i32>} : memref<128x128xf32, #tpu.memory_space<vmem>>, vector<1x16xf32>,
        %get3A_656 = vector.shape_cast %get3A_655 : vector<1x16xf32> to vector<16xf32>
        %mul3A_657 = arith.mulf %get3A_656, %broadcast_in_dim3A_632 : vector<16xf32>
        %swap3A_658 = arith.index_cast %add3A_629 : i32 to index
        %swap3A_659 = arith.constant 32 : index
        %swap3A_660 = tpu.vector_load %arg11[%swap3A_658, %swap3A_659] {strides = array<i32>} : memref<128x128xf32, #tpu.memory_space<vmem>>, vector<1x16xf32>,
        %swap3A_661 = vector.shape_cast %swap3A_660 : vector<1x16xf32> to vector<16xf32>
        %swap3A_662 = vector.shape_cast %mul3A_657 : vector<16xf32> to vector<1x16xf32>
        tpu.vector_store %arg11[%swap3A_658, %swap3A_659], %swap3A_662 {strides = array<i32>} : memref<128x128xf32, #tpu.memory_space<vmem>>, vector<1x16xf32>,
        %get3A_663 = arith.index_cast %add3A_629 : i32 to index
        %get3A_664 = arith.constant 48 : index
        %get3A_665 = tpu.vector_load %arg11[%get3A_663, %get3A_664] {strides = array<i32>} : memref<128x128xf32, #tpu.memory_space<vmem>>, vector<1x16xf32>,
        %get3A_666 = vector.shape_cast %get3A_665 : vector<1x16xf32> to vector<16xf32>
        %mul3A_667 = arith.mulf %get3A_666, %broadcast_in_dim3A_632 : vector<16xf32>
        %swap3A_668 = arith.index_cast %add3A_629 : i32 to index
        %swap3A_669 = arith.constant 48 : index
        %swap3A_670 = tpu.vector_load %arg11[%swap3A_668, %swap3A_669] {strides = array<i32>} : memref<128x128xf32, #tpu.memory_space<vmem>>, vector<1x16xf32>,
        %swap3A_671 = vector.shape_cast %swap3A_670 : vector<1x16xf32> to vector<16xf32>
        %swap3A_672 = vector.shape_cast %mul3A_667 : vector<16xf32> to vector<1x16xf32>
        tpu.vector_store %arg11[%swap3A_668, %swap3A_669], %swap3A_672 {strides = array<i32>} : memref<128x128xf32, #tpu.memory_space<vmem>>, vector<1x16xf32>,
        %get3A_673 = arith.index_cast %add3A_629 : i32 to index
        %get3A_674 = arith.constant 64 : index
        %get3A_675 = tpu.vector_load %arg11[%get3A_673, %get3A_674] {strides = array<i32>} : memref<128x128xf32, #tpu.memory_space<vmem>>, vector<1x16xf32>,
        %get3A_676 = vector.shape_cast %get3A_675 : vector<1x16xf32> to vector<16xf32>
        %mul3A_677 = arith.mulf %get3A_676, %broadcast_in_dim3A_632 : vector<16xf32>
        %swap3A_678 = arith.index_cast %add3A_629 : i32 to index
        %swap3A_679 = arith.constant 64 : index
        %swap3A_680 = tpu.vector_load %arg11[%swap3A_678, %swap3A_679] {strides = array<i32>} : memref<128x128xf32, #tpu.memory_space<vmem>>, vector<1x16xf32>,
        %swap3A_681 = vector.shape_cast %swap3A_680 : vector<1x16xf32> to vector<16xf32>
        %swap3A_682 = vector.shape_cast %mul3A_677 : vector<16xf32> to vector<1x16xf32>
        tpu.vector_store %arg11[%swap3A_678, %swap3A_679], %swap3A_682 {strides = array<i32>} : memref<128x128xf32, #tpu.memory_space<vmem>>, vector<1x16xf32>,
        %get3A_683 = arith.index_cast %add3A_629 : i32 to index
        %get3A_684 = arith.constant 80 : index
        %get3A_685 = tpu.vector_load %arg11[%get3A_683, %get3A_684] {strides = array<i32>} : memref<128x128xf32, #tpu.memory_space<vmem>>, vector<1x16xf32>,
        %get3A_686 = vector.shape_cast %get3A_685 : vector<1x16xf32> to vector<16xf32>
        %mul3A_687 = arith.mulf %get3A_686, %broadcast_in_dim3A_632 : vector<16xf32>
        %swap3A_688 = arith.index_cast %add3A_629 : i32 to index
        %swap3A_689 = arith.constant 80 : index
        %swap3A_690 = tpu.vector_load %arg11[%swap3A_688, %swap3A_689] {strides = array<i32>} : memref<128x128xf32, #tpu.memory_space<vmem>>, vector<1x16xf32>,
        %swap3A_691 = vector.shape_cast %swap3A_690 : vector<1x16xf32> to vector<16xf32>
        %swap3A_692 = vector.shape_cast %mul3A_687 : vector<16xf32> to vector<1x16xf32>
        tpu.vector_store %arg11[%swap3A_688, %swap3A_689], %swap3A_692 {strides = array<i32>} : memref<128x128xf32, #tpu.memory_space<vmem>>, vector<1x16xf32>,
        %get3A_693 = arith.index_cast %add3A_629 : i32 to index
        %get3A_694 = arith.constant 96 : index
        %get3A_695 = tpu.vector_load %arg11[%get3A_693, %get3A_694] {strides = array<i32>} : memref<128x128xf32, #tpu.memory_space<vmem>>, vector<1x16xf32>,
        %get3A_696 = vector.shape_cast %get3A_695 : vector<1x16xf32> to vector<16xf32>
        %mul3A_697 = arith.mulf %get3A_696, %broadcast_in_dim3A_632 : vector<16xf32>
        %swap3A_698 = arith.index_cast %add3A_629 : i32 to index
        %swap3A_699 = arith.constant 96 : index
        %swap3A_700 = tpu.vector_load %arg11[%swap3A_698, %swap3A_699] {strides = array<i32>} : memref<128x128xf32, #tpu.memory_space<vmem>>, vector<1x16xf32>,
        %swap3A_701 = vector.shape_cast %swap3A_700 : vector<1x16xf32> to vector<16xf32>
        %swap3A_702 = vector.shape_cast %mul3A_697 : vector<16xf32> to vector<1x16xf32>
        tpu.vector_store %arg11[%swap3A_698, %swap3A_699], %swap3A_702 {strides = array<i32>} : memref<128x128xf32, #tpu.memory_space<vmem>>, vector<1x16xf32>,
        %get3A_703 = arith.index_cast %add3A_629 : i32 to index
        %get3A_704 = arith.constant 112 : index
        %get3A_705 = tpu.vector_load %arg11[%get3A_703, %get3A_704] {strides = array<i32>} : memref<128x128xf32, #tpu.memory_space<vmem>>, vector<1x16xf32>,
        %get3A_706 = vector.shape_cast %get3A_705 : vector<1x16xf32> to vector<16xf32>
        %mul3A_707 = arith.mulf %get3A_706, %broadcast_in_dim3A_632 : vector<16xf32>
        %swap3A_708 = arith.index_cast %add3A_629 : i32 to index
        %swap3A_709 = arith.constant 112 : index
        %swap3A_710 = tpu.vector_load %arg11[%swap3A_708, %swap3A_709] {strides = array<i32>} : memref<128x128xf32, #tpu.memory_space<vmem>>, vector<1x16xf32>,
        %swap3A_711 = vector.shape_cast %swap3A_710 : vector<1x16xf32> to vector<16xf32>
        %swap3A_712 = vector.shape_cast %mul3A_707 : vector<16xf32> to vector<1x16xf32>
        tpu.vector_store %arg11[%swap3A_708, %swap3A_709], %swap3A_712 {strides = array<i32>} : memref<128x128xf32, #tpu.memory_space<vmem>>, vector<1x16xf32>,
        %add3A_713 = arith.constant 8 : i32
        %add3A_714 = arith.addi %mul3A_33, %add3A_713 : i32
        %slice3A_715 = vector.extract_strided_slice %get3A_36 {offsets = [8], sizes = [1], strides = [1]} : vector<16xf32> to vector<1xf32>
        %squeeze3A_716 = vector.extract %slice3A_715[0] : f32 from vector<1xf32>
        %broadcast_in_dim3A_717 = vector.broadcast %squeeze3A_716 : f32 to vector<16xf32>
        %get3A_718 = arith.index_cast %add3A_714 : i32 to index
        %get3A_719 = arith.constant 0 : index
        %get3A_720 = tpu.vector_load %arg11[%get3A_718, %get3A_719] {strides = array<i32>} : memref<128x128xf32, #tpu.memory_space<vmem>>, vector<1x16xf32>,
        %get3A_721 = vector.shape_cast %get3A_720 : vector<1x16xf32> to vector<16xf32>
        %mul3A_722 = arith.mulf %get3A_721, %broadcast_in_dim3A_717 : vector<16xf32>
        %swap3A_723 = arith.index_cast %add3A_714 : i32 to index
        %swap3A_724 = arith.constant 0 : index
        %swap3A_725 = tpu.vector_load %arg11[%swap3A_723, %swap3A_724] {strides = array<i32>} : memref<128x128xf32, #tpu.memory_space<vmem>>, vector<1x16xf32>,
        %swap3A_726 = vector.shape_cast %swap3A_725 : vector<1x16xf32> to vector<16xf32>
        %swap3A_727 = vector.shape_cast %mul3A_722 : vector<16xf32> to vector<1x16xf32>
        tpu.vector_store %arg11[%swap3A_723, %swap3A_724], %swap3A_727 {strides = array<i32>} : memref<128x128xf32, #tpu.memory_space<vmem>>, vector<1x16xf32>,
        %get3A_728 = arith.index_cast %add3A_714 : i32 to index
        %get3A_729 = arith.constant 16 : index
        %get3A_730 = tpu.vector_load %arg11[%get3A_728, %get3A_729] {strides = array<i32>} : memref<128x128xf32, #tpu.memory_space<vmem>>, vector<1x16xf32>,
        %get3A_731 = vector.shape_cast %get3A_730 : vector<1x16xf32> to vector<16xf32>
        %mul3A_732 = arith.mulf %get3A_731, %broadcast_in_dim3A_717 : vector<16xf32>
        %swap3A_733 = arith.index_cast %add3A_714 : i32 to index
        %swap3A_734 = arith.constant 16 : index
        %swap3A_735 = tpu.vector_load %arg11[%swap3A_733, %swap3A_734] {strides = array<i32>} : memref<128x128xf32, #tpu.memory_space<vmem>>, vector<1x16xf32>,
        %swap3A_736 = vector.shape_cast %swap3A_735 : vector<1x16xf32> to vector<16xf32>
        %swap3A_737 = vector.shape_cast %mul3A_732 : vector<16xf32> to vector<1x16xf32>
        tpu.vector_store %arg11[%swap3A_733, %swap3A_734], %swap3A_737 {strides = array<i32>} : memref<128x128xf32, #tpu.memory_space<vmem>>, vector<1x16xf32>,
        %get3A_738 = arith.index_cast %add3A_714 : i32 to index
        %get3A_739 = arith.constant 32 : index
        %get3A_740 = tpu.vector_load %arg11[%get3A_738, %get3A_739] {strides = array<i32>} : memref<128x128xf32, #tpu.memory_space<vmem>>, vector<1x16xf32>,
        %get3A_741 = vector.shape_cast %get3A_740 : vector<1x16xf32> to vector<16xf32>
        %mul3A_742 = arith.mulf %get3A_741, %broadcast_in_dim3A_717 : vector<16xf32>
        %swap3A_743 = arith.index_cast %add3A_714 : i32 to index
        %swap3A_744 = arith.constant 32 : index
        %swap3A_745 = tpu.vector_load %arg11[%swap3A_743, %swap3A_744] {strides = array<i32>} : memref<128x128xf32, #tpu.memory_space<vmem>>, vector<1x16xf32>,
        %swap3A_746 = vector.shape_cast %swap3A_745 : vector<1x16xf32> to vector<16xf32>
        %swap3A_747 = vector.shape_cast %mul3A_742 : vector<16xf32> to vector<1x16xf32>
        tpu.vector_store %arg11[%swap3A_743, %swap3A_744], %swap3A_747 {strides = array<i32>} : memref<128x128xf32, #tpu.memory_space<vmem>>, vector<1x16xf32>,
        %get3A_748 = arith.index_cast %add3A_714 : i32 to index
        %get3A_749 = arith.constant 48 : index
        %get3A_750 = tpu.vector_load %arg11[%get3A_748, %get3A_749] {strides = array<i32>} : memref<128x128xf32, #tpu.memory_space<vmem>>, vector<1x16xf32>,
        %get3A_751 = vector.shape_cast %get3A_750 : vector<1x16xf32> to vector<16xf32>
        %mul3A_752 = arith.mulf %get3A_751, %broadcast_in_dim3A_717 : vector<16xf32>
        %swap3A_753 = arith.index_cast %add3A_714 : i32 to index
        %swap3A_754 = arith.constant 48 : index
        %swap3A_755 = tpu.vector_load %arg11[%swap3A_753, %swap3A_754] {strides = array<i32>} : memref<128x128xf32, #tpu.memory_space<vmem>>, vector<1x16xf32>,
        %swap3A_756 = vector.shape_cast %swap3A_755 : vector<1x16xf32> to vector<16xf32>
        %swap3A_757 = vector.shape_cast %mul3A_752 : vector<16xf32> to vector<1x16xf32>
        tpu.vector_store %arg11[%swap3A_753, %swap3A_754], %swap3A_757 {strides = array<i32>} : memref<128x128xf32, #tpu.memory_space<vmem>>, vector<1x16xf32>,
        %get3A_758 = arith.index_cast %add3A_714 : i32 to index
        %get3A_759 = arith.constant 64 : index
        %get3A_760 = tpu.vector_load %arg11[%get3A_758, %get3A_759] {strides = array<i32>} : memref<128x128xf32, #tpu.memory_space<vmem>>, vector<1x16xf32>,
        %get3A_761 = vector.shape_cast %get3A_760 : vector<1x16xf32> to vector<16xf32>
        %mul3A_762 = arith.mulf %get3A_761, %broadcast_in_dim3A_717 : vector<16xf32>
        %swap3A_763 = arith.index_cast %add3A_714 : i32 to index
        %swap3A_764 = arith.constant 64 : index
        %swap3A_765 = tpu.vector_load %arg11[%swap3A_763, %swap3A_764] {strides = array<i32>} : memref<128x128xf32, #tpu.memory_space<vmem>>, vector<1x16xf32>,
        %swap3A_766 = vector.shape_cast %swap3A_765 : vector<1x16xf32> to vector<16xf32>
        %swap3A_767 = vector.shape_cast %mul3A_762 : vector<16xf32> to vector<1x16xf32>
        tpu.vector_store %arg11[%swap3A_763, %swap3A_764], %swap3A_767 {strides = array<i32>} : memref<128x128xf32, #tpu.memory_space<vmem>>, vector<1x16xf32>,
        %get3A_768 = arith.index_cast %add3A_714 : i32 to index
        %get3A_769 = arith.constant 80 : index
        %get3A_770 = tpu.vector_load %arg11[%get3A_768, %get3A_769] {strides = array<i32>} : memref<128x128xf32, #tpu.memory_space<vmem>>, vector<1x16xf32>,
        %get3A_771 = vector.shape_cast %get3A_770 : vector<1x16xf32> to vector<16xf32>
        %mul3A_772 = arith.mulf %get3A_771, %broadcast_in_dim3A_717 : vector<16xf32>
        %swap3A_773 = arith.index_cast %add3A_714 : i32 to index
        %swap3A_774 = arith.constant 80 : index
        %swap3A_775 = tpu.vector_load %arg11[%swap3A_773, %swap3A_774] {strides = array<i32>} : memref<128x128xf32, #tpu.memory_space<vmem>>, vector<1x16xf32>,
        %swap3A_776 = vector.shape_cast %swap3A_775 : vector<1x16xf32> to vector<16xf32>
        %swap3A_777 = vector.shape_cast %mul3A_772 : vector<16xf32> to vector<1x16xf32>
        tpu.vector_store %arg11[%swap3A_773, %swap3A_774], %swap3A_777 {strides = array<i32>} : memref<128x128xf32, #tpu.memory_space<vmem>>, vector<1x16xf32>,
        %get3A_778 = arith.index_cast %add3A_714 : i32 to index
        %get3A_779 = arith.constant 96 : index
        %get3A_780 = tpu.vector_load %arg11[%get3A_778, %get3A_779] {strides = array<i32>} : memref<128x128xf32, #tpu.memory_space<vmem>>, vector<1x16xf32>,
        %get3A_781 = vector.shape_cast %get3A_780 : vector<1x16xf32> to vector<16xf32>
        %mul3A_782 = arith.mulf %get3A_781, %broadcast_in_dim3A_717 : vector<16xf32>
        %swap3A_783 = arith.index_cast %add3A_714 : i32 to index
        %swap3A_784 = arith.constant 96 : index
        %swap3A_785 = tpu.vector_load %arg11[%swap3A_783, %swap3A_784] {strides = array<i32>} : memref<128x128xf32, #tpu.memory_space<vmem>>, vector<1x16xf32>,
        %swap3A_786 = vector.shape_cast %swap3A_785 : vector<1x16xf32> to vector<16xf32>
        %swap3A_787 = vector.shape_cast %mul3A_782 : vector<16xf32> to vector<1x16xf32>
        tpu.vector_store %arg11[%swap3A_783, %swap3A_784], %swap3A_787 {strides = array<i32>} : memref<128x128xf32, #tpu.memory_space<vmem>>, vector<1x16xf32>,
        %get3A_788 = arith.index_cast %add3A_714 : i32 to index
        %get3A_789 = arith.constant 112 : index
        %get3A_790 = tpu.vector_load %arg11[%get3A_788, %get3A_789] {strides = array<i32>} : memref<128x128xf32, #tpu.memory_space<vmem>>, vector<1x16xf32>,
        %get3A_791 = vector.shape_cast %get3A_790 : vector<1x16xf32> to vector<16xf32>
        %mul3A_792 = arith.mulf %get3A_791, %broadcast_in_dim3A_717 : vector<16xf32>
        %swap3A_793 = arith.index_cast %add3A_714 : i32 to index
        %swap3A_794 = arith.constant 112 : index
        %swap3A_795 = tpu.vector_load %arg11[%swap3A_793, %swap3A_794] {strides = array<i32>} : memref<128x128xf32, #tpu.memory_space<vmem>>, vector<1x16xf32>,
        %swap3A_796 = vector.shape_cast %swap3A_795 : vector<1x16xf32> to vector<16xf32>
        %swap3A_797 = vector.shape_cast %mul3A_792 : vector<16xf32> to vector<1x16xf32>
        tpu.vector_store %arg11[%swap3A_793, %swap3A_794], %swap3A_797 {strides = array<i32>} : memref<128x128xf32, #tpu.memory_space<vmem>>, vector<1x16xf32>,
        %add3A_798 = arith.constant 9 : i32
        %add3A_799 = arith.addi %mul3A_33, %add3A_798 : i32
        %slice3A_800 = vector.extract_strided_slice %get3A_36 {offsets = [9], sizes = [1], strides = [1]} : vector<16xf32> to vector<1xf32>
        %squeeze3A_801 = vector.extract %slice3A_800[0] : f32 from vector<1xf32>
        %broadcast_in_dim3A_802 = vector.broadcast %squeeze3A_801 : f32 to vector<16xf32>
        %get3A_803 = arith.index_cast %add3A_799 : i32 to index
        %get3A_804 = arith.constant 0 : index
        %get3A_805 = tpu.vector_load %arg11[%get3A_803, %get3A_804] {strides = array<i32>} : memref<128x128xf32, #tpu.memory_space<vmem>>, vector<1x16xf32>,
        %get3A_806 = vector.shape_cast %get3A_805 : vector<1x16xf32> to vector<16xf32>
        %mul3A_807 = arith.mulf %get3A_806, %broadcast_in_dim3A_802 : vector<16xf32>
        %swap3A_808 = arith.index_cast %add3A_799 : i32 to index
        %swap3A_809 = arith.constant 0 : index
        %swap3A_810 = tpu.vector_load %arg11[%swap3A_808, %swap3A_809] {strides = array<i32>} : memref<128x128xf32, #tpu.memory_space<vmem>>, vector<1x16xf32>,
        %swap3A_811 = vector.shape_cast %swap3A_810 : vector<1x16xf32> to vector<16xf32>
        %swap3A_812 = vector.shape_cast %mul3A_807 : vector<16xf32> to vector<1x16xf32>
        tpu.vector_store %arg11[%swap3A_808, %swap3A_809], %swap3A_812 {strides = array<i32>} : memref<128x128xf32, #tpu.memory_space<vmem>>, vector<1x16xf32>,
        %get3A_813 = arith.index_cast %add3A_799 : i32 to index
        %get3A_814 = arith.constant 16 : index
        %get3A_815 = tpu.vector_load %arg11[%get3A_813, %get3A_814] {strides = array<i32>} : memref<128x128xf32, #tpu.memory_space<vmem>>, vector<1x16xf32>,
        %get3A_816 = vector.shape_cast %get3A_815 : vector<1x16xf32> to vector<16xf32>
        %mul3A_817 = arith.mulf %get3A_816, %broadcast_in_dim3A_802 : vector<16xf32>
        %swap3A_818 = arith.index_cast %add3A_799 : i32 to index
        %swap3A_819 = arith.constant 16 : index
        %swap3A_820 = tpu.vector_load %arg11[%swap3A_818, %swap3A_819] {strides = array<i32>} : memref<128x128xf32, #tpu.memory_space<vmem>>, vector<1x16xf32>,
        %swap3A_821 = vector.shape_cast %swap3A_820 : vector<1x16xf32> to vector<16xf32>
        %swap3A_822 = vector.shape_cast %mul3A_817 : vector<16xf32> to vector<1x16xf32>
        tpu.vector_store %arg11[%swap3A_818, %swap3A_819], %swap3A_822 {strides = array<i32>} : memref<128x128xf32, #tpu.memory_space<vmem>>, vector<1x16xf32>,
        %get3A_823 = arith.index_cast %add3A_799 : i32 to index
        %get3A_824 = arith.constant 32 : index
        %get3A_825 = tpu.vector_load %arg11[%get3A_823, %get3A_824] {strides = array<i32>} : memref<128x128xf32, #tpu.memory_space<vmem>>, vector<1x16xf32>,
        %get3A_826 = vector.shape_cast %get3A_825 : vector<1x16xf32> to vector<16xf32>
        %mul3A_827 = arith.mulf %get3A_826, %broadcast_in_dim3A_802 : vector<16xf32>
        %swap3A_828 = arith.index_cast %add3A_799 : i32 to index
        %swap3A_829 = arith.constant 32 : index
        %swap3A_830 = tpu.vector_load %arg11[%swap3A_828, %swap3A_829] {strides = array<i32>} : memref<128x128xf32, #tpu.memory_space<vmem>>, vector<1x16xf32>,
        %swap3A_831 = vector.shape_cast %swap3A_830 : vector<1x16xf32> to vector<16xf32>
        %swap3A_832 = vector.shape_cast %mul3A_827 : vector<16xf32> to vector<1x16xf32>
        tpu.vector_store %arg11[%swap3A_828, %swap3A_829], %swap3A_832 {strides = array<i32>} : memref<128x128xf32, #tpu.memory_space<vmem>>, vector<1x16xf32>,
        %get3A_833 = arith.index_cast %add3A_799 : i32 to index
        %get3A_834 = arith.constant 48 : index
        %get3A_835 = tpu.vector_load %arg11[%get3A_833, %get3A_834] {strides = array<i32>} : memref<128x128xf32, #tpu.memory_space<vmem>>, vector<1x16xf32>,
        %get3A_836 = vector.shape_cast %get3A_835 : vector<1x16xf32> to vector<16xf32>
        %mul3A_837 = arith.mulf %get3A_836, %broadcast_in_dim3A_802 : vector<16xf32>
        %swap3A_838 = arith.index_cast %add3A_799 : i32 to index
        %swap3A_839 = arith.constant 48 : index
        %swap3A_840 = tpu.vector_load %arg11[%swap3A_838, %swap3A_839] {strides = array<i32>} : memref<128x128xf32, #tpu.memory_space<vmem>>, vector<1x16xf32>,
        %swap3A_841 = vector.shape_cast %swap3A_840 : vector<1x16xf32> to vector<16xf32>
        %swap3A_842 = vector.shape_cast %mul3A_837 : vector<16xf32> to vector<1x16xf32>
        tpu.vector_store %arg11[%swap3A_838, %swap3A_839], %swap3A_842 {strides = array<i32>} : memref<128x128xf32, #tpu.memory_space<vmem>>, vector<1x16xf32>,
        %get3A_843 = arith.index_cast %add3A_799 : i32 to index
        %get3A_844 = arith.constant 64 : index
        %get3A_845 = tpu.vector_load %arg11[%get3A_843, %get3A_844] {strides = array<i32>} : memref<128x128xf32, #tpu.memory_space<vmem>>, vector<1x16xf32>,
        %get3A_846 = vector.shape_cast %get3A_845 : vector<1x16xf32> to vector<16xf32>
        %mul3A_847 = arith.mulf %get3A_846, %broadcast_in_dim3A_802 : vector<16xf32>
        %swap3A_848 = arith.index_cast %add3A_799 : i32 to index
        %swap3A_849 = arith.constant 64 : index
        %swap3A_850 = tpu.vector_load %arg11[%swap3A_848, %swap3A_849] {strides = array<i32>} : memref<128x128xf32, #tpu.memory_space<vmem>>, vector<1x16xf32>,
        %swap3A_851 = vector.shape_cast %swap3A_850 : vector<1x16xf32> to vector<16xf32>
        %swap3A_852 = vector.shape_cast %mul3A_847 : vector<16xf32> to vector<1x16xf32>
        tpu.vector_store %arg11[%swap3A_848, %swap3A_849], %swap3A_852 {strides = array<i32>} : memref<128x128xf32, #tpu.memory_space<vmem>>, vector<1x16xf32>,
        %get3A_853 = arith.index_cast %add3A_799 : i32 to index
        %get3A_854 = arith.constant 80 : index
        %get3A_855 = tpu.vector_load %arg11[%get3A_853, %get3A_854] {strides = array<i32>} : memref<128x128xf32, #tpu.memory_space<vmem>>, vector<1x16xf32>,
        %get3A_856 = vector.shape_cast %get3A_855 : vector<1x16xf32> to vector<16xf32>
        %mul3A_857 = arith.mulf %get3A_856, %broadcast_in_dim3A_802 : vector<16xf32>
        %swap3A_858 = arith.index_cast %add3A_799 : i32 to index
        %swap3A_859 = arith.constant 80 : index
        %swap3A_860 = tpu.vector_load %arg11[%swap3A_858, %swap3A_859] {strides = array<i32>} : memref<128x128xf32, #tpu.memory_space<vmem>>, vector<1x16xf32>,
        %swap3A_861 = vector.shape_cast %swap3A_860 : vector<1x16xf32> to vector<16xf32>
        %swap3A_862 = vector.shape_cast %mul3A_857 : vector<16xf32> to vector<1x16xf32>
        tpu.vector_store %arg11[%swap3A_858, %swap3A_859], %swap3A_862 {strides = array<i32>} : memref<128x128xf32, #tpu.memory_space<vmem>>, vector<1x16xf32>,
        %get3A_863 = arith.index_cast %add3A_799 : i32 to index
        %get3A_864 = arith.constant 96 : index
        %get3A_865 = tpu.vector_load %arg11[%get3A_863, %get3A_864] {strides = array<i32>} : memref<128x128xf32, #tpu.memory_space<vmem>>, vector<1x16xf32>,
        %get3A_866 = vector.shape_cast %get3A_865 : vector<1x16xf32> to vector<16xf32>
        %mul3A_867 = arith.mulf %get3A_866, %broadcast_in_dim3A_802 : vector<16xf32>
        %swap3A_868 = arith.index_cast %add3A_799 : i32 to index
        %swap3A_869 = arith.constant 96 : index
        %swap3A_870 = tpu.vector_load %arg11[%swap3A_868, %swap3A_869] {strides = array<i32>} : memref<128x128xf32, #tpu.memory_space<vmem>>, vector<1x16xf32>,
        %swap3A_871 = vector.shape_cast %swap3A_870 : vector<1x16xf32> to vector<16xf32>
        %swap3A_872 = vector.shape_cast %mul3A_867 : vector<16xf32> to vector<1x16xf32>
        tpu.vector_store %arg11[%swap3A_868, %swap3A_869], %swap3A_872 {strides = array<i32>} : memref<128x128xf32, #tpu.memory_space<vmem>>, vector<1x16xf32>,
        %get3A_873 = arith.index_cast %add3A_799 : i32 to index
        %get3A_874 = arith.constant 112 : index
        %get3A_875 = tpu.vector_load %arg11[%get3A_873, %get3A_874] {strides = array<i32>} : memref<128x128xf32, #tpu.memory_space<vmem>>, vector<1x16xf32>,
        %get3A_876 = vector.shape_cast %get3A_875 : vector<1x16xf32> to vector<16xf32>
        %mul3A_877 = arith.mulf %get3A_876, %broadcast_in_dim3A_802 : vector<16xf32>
        %swap3A_878 = arith.index_cast %add3A_799 : i32 to index
        %swap3A_879 = arith.constant 112 : index
        %swap3A_880 = tpu.vector_load %arg11[%swap3A_878, %swap3A_879] {strides = array<i32>} : memref<128x128xf32, #tpu.memory_space<vmem>>, vector<1x16xf32>,
        %swap3A_881 = vector.shape_cast %swap3A_880 : vector<1x16xf32> to vector<16xf32>
        %swap3A_882 = vector.shape_cast %mul3A_877 : vector<16xf32> to vector<1x16xf32>
        tpu.vector_store %arg11[%swap3A_878, %swap3A_879], %swap3A_882 {strides = array<i32>} : memref<128x128xf32, #tpu.memory_space<vmem>>, vector<1x16xf32>,
        %add3A_883 = arith.constant 10 : i32
        %add3A_884 = arith.addi %mul3A_33, %add3A_883 : i32
        %slice3A_885 = vector.extract_strided_slice %get3A_36 {offsets = [10], sizes = [1], strides = [1]} : vector<16xf32> to vector<1xf32>
        %squeeze3A_886 = vector.extract %slice3A_885[0] : f32 from vector<1xf32>
        %broadcast_in_dim3A_887 = vector.broadcast %squeeze3A_886 : f32 to vector<16xf32>
        %get3A_888 = arith.index_cast %add3A_884 : i32 to index
        %get3A_889 = arith.constant 0 : index
        %get3A_890 = tpu.vector_load %arg11[%get3A_888, %get3A_889] {strides = array<i32>} : memref<128x128xf32, #tpu.memory_space<vmem>>, vector<1x16xf32>,
        %get3A_891 = vector.shape_cast %get3A_890 : vector<1x16xf32> to vector<16xf32>
        %mul3A_892 = arith.mulf %get3A_891, %broadcast_in_dim3A_887 : vector<16xf32>
        %swap3A_893 = arith.index_cast %add3A_884 : i32 to index
        %swap3A_894 = arith.constant 0 : index
        %swap3A_895 = tpu.vector_load %arg11[%swap3A_893, %swap3A_894] {strides = array<i32>} : memref<128x128xf32, #tpu.memory_space<vmem>>, vector<1x16xf32>,
        %swap3A_896 = vector.shape_cast %swap3A_895 : vector<1x16xf32> to vector<16xf32>
        %swap3A_897 = vector.shape_cast %mul3A_892 : vector<16xf32> to vector<1x16xf32>
        tpu.vector_store %arg11[%swap3A_893, %swap3A_894], %swap3A_897 {strides = array<i32>} : memref<128x128xf32, #tpu.memory_space<vmem>>, vector<1x16xf32>,
        %get3A_898 = arith.index_cast %add3A_884 : i32 to index
        %get3A_899 = arith.constant 16 : index
        %get3A_900 = tpu.vector_load %arg11[%get3A_898, %get3A_899] {strides = array<i32>} : memref<128x128xf32, #tpu.memory_space<vmem>>, vector<1x16xf32>,
        %get3A_901 = vector.shape_cast %get3A_900 : vector<1x16xf32> to vector<16xf32>
        %mul3A_902 = arith.mulf %get3A_901, %broadcast_in_dim3A_887 : vector<16xf32>
        %swap3A_903 = arith.index_cast %add3A_884 : i32 to index
        %swap3A_904 = arith.constant 16 : index
        %swap3A_905 = tpu.vector_load %arg11[%swap3A_903, %swap3A_904] {strides = array<i32>} : memref<128x128xf32, #tpu.memory_space<vmem>>, vector<1x16xf32>,
        %swap3A_906 = vector.shape_cast %swap3A_905 : vector<1x16xf32> to vector<16xf32>
        %swap3A_907 = vector.shape_cast %mul3A_902 : vector<16xf32> to vector<1x16xf32>
        tpu.vector_store %arg11[%swap3A_903, %swap3A_904], %swap3A_907 {strides = array<i32>} : memref<128x128xf32, #tpu.memory_space<vmem>>, vector<1x16xf32>,
        %get3A_908 = arith.index_cast %add3A_884 : i32 to index
        %get3A_909 = arith.constant 32 : index
        %get3A_910 = tpu.vector_load %arg11[%get3A_908, %get3A_909] {strides = array<i32>} : memref<128x128xf32, #tpu.memory_space<vmem>>, vector<1x16xf32>,
        %get3A_911 = vector.shape_cast %get3A_910 : vector<1x16xf32> to vector<16xf32>
        %mul3A_912 = arith.mulf %get3A_911, %broadcast_in_dim3A_887 : vector<16xf32>
        %swap3A_913 = arith.index_cast %add3A_884 : i32 to index
        %swap3A_914 = arith.constant 32 : index
        %swap3A_915 = tpu.vector_load %arg11[%swap3A_913, %swap3A_914] {strides = array<i32>} : memref<128x128xf32, #tpu.memory_space<vmem>>, vector<1x16xf32>,
        %swap3A_916 = vector.shape_cast %swap3A_915 : vector<1x16xf32> to vector<16xf32>
        %swap3A_917 = vector.shape_cast %mul3A_912 : vector<16xf32> to vector<1x16xf32>
        tpu.vector_store %arg11[%swap3A_913, %swap3A_914], %swap3A_917 {strides = array<i32>} : memref<128x128xf32, #tpu.memory_space<vmem>>, vector<1x16xf32>,
        %get3A_918 = arith.index_cast %add3A_884 : i32 to index
        %get3A_919 = arith.constant 48 : index
        %get3A_920 = tpu.vector_load %arg11[%get3A_918, %get3A_919] {strides = array<i32>} : memref<128x128xf32, #tpu.memory_space<vmem>>, vector<1x16xf32>,
        %get3A_921 = vector.shape_cast %get3A_920 : vector<1x16xf32> to vector<16xf32>
        %mul3A_922 = arith.mulf %get3A_921, %broadcast_in_dim3A_887 : vector<16xf32>
        %swap3A_923 = arith.index_cast %add3A_884 : i32 to index
        %swap3A_924 = arith.constant 48 : index
        %swap3A_925 = tpu.vector_load %arg11[%swap3A_923, %swap3A_924] {strides = array<i32>} : memref<128x128xf32, #tpu.memory_space<vmem>>, vector<1x16xf32>,
        %swap3A_926 = vector.shape_cast %swap3A_925 : vector<1x16xf32> to vector<16xf32>
        %swap3A_927 = vector.shape_cast %mul3A_922 : vector<16xf32> to vector<1x16xf32>
        tpu.vector_store %arg11[%swap3A_923, %swap3A_924], %swap3A_927 {strides = array<i32>} : memref<128x128xf32, #tpu.memory_space<vmem>>, vector<1x16xf32>,
        %get3A_928 = arith.index_cast %add3A_884 : i32 to index
        %get3A_929 = arith.constant 64 : index
        %get3A_930 = tpu.vector_load %arg11[%get3A_928, %get3A_929] {strides = array<i32>} : memref<128x128xf32, #tpu.memory_space<vmem>>, vector<1x16xf32>,
        %get3A_931 = vector.shape_cast %get3A_930 : vector<1x16xf32> to vector<16xf32>
        %mul3A_932 = arith.mulf %get3A_931, %broadcast_in_dim3A_887 : vector<16xf32>
        %swap3A_933 = arith.index_cast %add3A_884 : i32 to index
        %swap3A_934 = arith.constant 64 : index
        %swap3A_935 = tpu.vector_load %arg11[%swap3A_933, %swap3A_934] {strides = array<i32>} : memref<128x128xf32, #tpu.memory_space<vmem>>, vector<1x16xf32>,
        %swap3A_936 = vector.shape_cast %swap3A_935 : vector<1x16xf32> to vector<16xf32>
        %swap3A_937 = vector.shape_cast %mul3A_932 : vector<16xf32> to vector<1x16xf32>
        tpu.vector_store %arg11[%swap3A_933, %swap3A_934], %swap3A_937 {strides = array<i32>} : memref<128x128xf32, #tpu.memory_space<vmem>>, vector<1x16xf32>,
        %get3A_938 = arith.index_cast %add3A_884 : i32 to index
        %get3A_939 = arith.constant 80 : index
        %get3A_940 = tpu.vector_load %arg11[%get3A_938, %get3A_939] {strides = array<i32>} : memref<128x128xf32, #tpu.memory_space<vmem>>, vector<1x16xf32>,
        %get3A_941 = vector.shape_cast %get3A_940 : vector<1x16xf32> to vector<16xf32>
        %mul3A_942 = arith.mulf %get3A_941, %broadcast_in_dim3A_887 : vector<16xf32>
        %swap3A_943 = arith.index_cast %add3A_884 : i32 to index
        %swap3A_944 = arith.constant 80 : index
        %swap3A_945 = tpu.vector_load %arg11[%swap3A_943, %swap3A_944] {strides = array<i32>} : memref<128x128xf32, #tpu.memory_space<vmem>>, vector<1x16xf32>,
        %swap3A_946 = vector.shape_cast %swap3A_945 : vector<1x16xf32> to vector<16xf32>
        %swap3A_947 = vector.shape_cast %mul3A_942 : vector<16xf32> to vector<1x16xf32>
        tpu.vector_store %arg11[%swap3A_943, %swap3A_944], %swap3A_947 {strides = array<i32>} : memref<128x128xf32, #tpu.memory_space<vmem>>, vector<1x16xf32>,
        %get3A_948 = arith.index_cast %add3A_884 : i32 to index
        %get3A_949 = arith.constant 96 : index
        %get3A_950 = tpu.vector_load %arg11[%get3A_948, %get3A_949] {strides = array<i32>} : memref<128x128xf32, #tpu.memory_space<vmem>>, vector<1x16xf32>,
        %get3A_951 = vector.shape_cast %get3A_950 : vector<1x16xf32> to vector<16xf32>
        %mul3A_952 = arith.mulf %get3A_951, %broadcast_in_dim3A_887 : vector<16xf32>
        %swap3A_953 = arith.index_cast %add3A_884 : i32 to index
        %swap3A_954 = arith.constant 96 : index
        %swap3A_955 = tpu.vector_load %arg11[%swap3A_953, %swap3A_954] {strides = array<i32>} : memref<128x128xf32, #tpu.memory_space<vmem>>, vector<1x16xf32>,
        %swap3A_956 = vector.shape_cast %swap3A_955 : vector<1x16xf32> to vector<16xf32>
        %swap3A_957 = vector.shape_cast %mul3A_952 : vector<16xf32> to vector<1x16xf32>
        tpu.vector_store %arg11[%swap3A_953, %swap3A_954], %swap3A_957 {strides = array<i32>} : memref<128x128xf32, #tpu.memory_space<vmem>>, vector<1x16xf32>,
        %get3A_958 = arith.index_cast %add3A_884 : i32 to index
        %get3A_959 = arith.constant 112 : index
        %get3A_960 = tpu.vector_load %arg11[%get3A_958, %get3A_959] {strides = array<i32>} : memref<128x128xf32, #tpu.memory_space<vmem>>, vector<1x16xf32>,
        %get3A_961 = vector.shape_cast %get3A_960 : vector<1x16xf32> to vector<16xf32>
        %mul3A_962 = arith.mulf %get3A_961, %broadcast_in_dim3A_887 : vector<16xf32>
        %swap3A_963 = arith.index_cast %add3A_884 : i32 to index
        %swap3A_964 = arith.constant 112 : index
        %swap3A_965 = tpu.vector_load %arg11[%swap3A_963, %swap3A_964] {strides = array<i32>} : memref<128x128xf32, #tpu.memory_space<vmem>>, vector<1x16xf32>,
        %swap3A_966 = vector.shape_cast %swap3A_965 : vector<1x16xf32> to vector<16xf32>
        %swap3A_967 = vector.shape_cast %mul3A_962 : vector<16xf32> to vector<1x16xf32>
        tpu.vector_store %arg11[%swap3A_963, %swap3A_964], %swap3A_967 {strides = array<i32>} : memref<128x128xf32, #tpu.memory_space<vmem>>, vector<1x16xf32>,
        %add3A_968 = arith.constant 11 : i32
        %add3A_969 = arith.addi %mul3A_33, %add3A_968 : i32
        %slice3A_970 = vector.extract_strided_slice %get3A_36 {offsets = [11], sizes = [1], strides = [1]} : vector<16xf32> to vector<1xf32>
        %squeeze3A_971 = vector.extract %slice3A_970[0] : f32 from vector<1xf32>
        %broadcast_in_dim3A_972 = vector.broadcast %squeeze3A_971 : f32 to vector<16xf32>
        %get3A_973 = arith.index_cast %add3A_969 : i32 to index
        %get3A_974 = arith.constant 0 : index
        %get3A_975 = tpu.vector_load %arg11[%get3A_973, %get3A_974] {strides = array<i32>} : memref<128x128xf32, #tpu.memory_space<vmem>>, vector<1x16xf32>,
        %get3A_976 = vector.shape_cast %get3A_975 : vector<1x16xf32> to vector<16xf32>
        %mul3A_977 = arith.mulf %get3A_976, %broadcast_in_dim3A_972 : vector<16xf32>
        %swap3A_978 = arith.index_cast %add3A_969 : i32 to index
        %swap3A_979 = arith.constant 0 : index
        %swap3A_980 = tpu.vector_load %arg11[%swap3A_978, %swap3A_979] {strides = array<i32>} : memref<128x128xf32, #tpu.memory_space<vmem>>, vector<1x16xf32>,
        %swap3A_981 = vector.shape_cast %swap3A_980 : vector<1x16xf32> to vector<16xf32>
        %swap3A_982 = vector.shape_cast %mul3A_977 : vector<16xf32> to vector<1x16xf32>
        tpu.vector_store %arg11[%swap3A_978, %swap3A_979], %swap3A_982 {strides = array<i32>} : memref<128x128xf32, #tpu.memory_space<vmem>>, vector<1x16xf32>,
        %get3A_983 = arith.index_cast %add3A_969 : i32 to index
        %get3A_984 = arith.constant 16 : index
        %get3A_985 = tpu.vector_load %arg11[%get3A_983, %get3A_984] {strides = array<i32>} : memref<128x128xf32, #tpu.memory_space<vmem>>, vector<1x16xf32>,
        %get3A_986 = vector.shape_cast %get3A_985 : vector<1x16xf32> to vector<16xf32>
        %mul3A_987 = arith.mulf %get3A_986, %broadcast_in_dim3A_972 : vector<16xf32>
        %swap3A_988 = arith.index_cast %add3A_969 : i32 to index
        %swap3A_989 = arith.constant 16 : index
        %swap3A_990 = tpu.vector_load %arg11[%swap3A_988, %swap3A_989] {strides = array<i32>} : memref<128x128xf32, #tpu.memory_space<vmem>>, vector<1x16xf32>,
        %swap3A_991 = vector.shape_cast %swap3A_990 : vector<1x16xf32> to vector<16xf32>
        %swap3A_992 = vector.shape_cast %mul3A_987 : vector<16xf32> to vector<1x16xf32>
        tpu.vector_store %arg11[%swap3A_988, %swap3A_989], %swap3A_992 {strides = array<i32>} : memref<128x128xf32, #tpu.memory_space<vmem>>, vector<1x16xf32>,
        %get3A_993 = arith.index_cast %add3A_969 : i32 to index
        %get3A_994 = arith.constant 32 : index
        %get3A_995 = tpu.vector_load %arg11[%get3A_993, %get3A_994] {strides = array<i32>} : memref<128x128xf32, #tpu.memory_space<vmem>>, vector<1x16xf32>,
        %get3A_996 = vector.shape_cast %get3A_995 : vector<1x16xf32> to vector<16xf32>
        %mul3A_997 = arith.mulf %get3A_996, %broadcast_in_dim3A_972 : vector<16xf32>
        %swap3A_998 = arith.index_cast %add3A_969 : i32 to index
        %swap3A_999 = arith.constant 32 : index
        %swap3A_1000 = tpu.vector_load %arg11[%swap3A_998, %swap3A_999] {strides = array<i32>} : memref<128x128xf32, #tpu.memory_space<vmem>>, vector<1x16xf32>,
        %swap3A_1001 = vector.shape_cast %swap3A_1000 : vector<1x16xf32> to vector<16xf32>
        %swap3A_1002 = vector.shape_cast %mul3A_997 : vector<16xf32> to vector<1x16xf32>
        tpu.vector_store %arg11[%swap3A_998, %swap3A_999], %swap3A_1002 {strides = array<i32>} : memref<128x128xf32, #tpu.memory_space<vmem>>, vector<1x16xf32>,
        %get3A_1003 = arith.index_cast %add3A_969 : i32 to index
        %get3A_1004 = arith.constant 48 : index
        %get3A_1005 = tpu.vector_load %arg11[%get3A_1003, %get3A_1004] {strides = array<i32>} : memref<128x128xf32, #tpu.memory_space<vmem>>, vector<1x16xf32>,
        %get3A_1006 = vector.shape_cast %get3A_1005 : vector<1x16xf32> to vector<16xf32>
        %mul3A_1007 = arith.mulf %get3A_1006, %broadcast_in_dim3A_972 : vector<16xf32>
        %swap3A_1008 = arith.index_cast %add3A_969 : i32 to index
        %swap3A_1009 = arith.constant 48 : index
        %swap3A_1010 = tpu.vector_load %arg11[%swap3A_1008, %swap3A_1009] {strides = array<i32>} : memref<128x128xf32, #tpu.memory_space<vmem>>, vector<1x16xf32>,
        %swap3A_1011 = vector.shape_cast %swap3A_1010 : vector<1x16xf32> to vector<16xf32>
        %swap3A_1012 = vector.shape_cast %mul3A_1007 : vector<16xf32> to vector<1x16xf32>
        tpu.vector_store %arg11[%swap3A_1008, %swap3A_1009], %swap3A_1012 {strides = array<i32>} : memref<128x128xf32, #tpu.memory_space<vmem>>, vector<1x16xf32>,
        %get3A_1013 = arith.index_cast %add3A_969 : i32 to index
        %get3A_1014 = arith.constant 64 : index
        %get3A_1015 = tpu.vector_load %arg11[%get3A_1013, %get3A_1014] {strides = array<i32>} : memref<128x128xf32, #tpu.memory_space<vmem>>, vector<1x16xf32>,
        %get3A_1016 = vector.shape_cast %get3A_1015 : vector<1x16xf32> to vector<16xf32>
        %mul3A_1017 = arith.mulf %get3A_1016, %broadcast_in_dim3A_972 : vector<16xf32>
        %swap3A_1018 = arith.index_cast %add3A_969 : i32 to index
        %swap3A_1019 = arith.constant 64 : index
        %swap3A_1020 = tpu.vector_load %arg11[%swap3A_1018, %swap3A_1019] {strides = array<i32>} : memref<128x128xf32, #tpu.memory_space<vmem>>, vector<1x16xf32>,
        %swap3A_1021 = vector.shape_cast %swap3A_1020 : vector<1x16xf32> to vector<16xf32>
        %swap3A_1022 = vector.shape_cast %mul3A_1017 : vector<16xf32> to vector<1x16xf32>
        tpu.vector_store %arg11[%swap3A_1018, %swap3A_1019], %swap3A_1022 {strides = array<i32>} : memref<128x128xf32, #tpu.memory_space<vmem>>, vector<1x16xf32>,
        %get3A_1023 = arith.index_cast %add3A_969 : i32 to index
        %get3A_1024 = arith.constant 80 : index
        %get3A_1025 = tpu.vector_load %arg11[%get3A_1023, %get3A_1024] {strides = array<i32>} : memref<128x128xf32, #tpu.memory_space<vmem>>, vector<1x16xf32>,
        %get3A_1026 = vector.shape_cast %get3A_1025 : vector<1x16xf32> to vector<16xf32>
        %mul3A_1027 = arith.mulf %get3A_1026, %broadcast_in_dim3A_972 : vector<16xf32>
        %swap3A_1028 = arith.index_cast %add3A_969 : i32 to index
        %swap3A_1029 = arith.constant 80 : index
        %swap3A_1030 = tpu.vector_load %arg11[%swap3A_1028, %swap3A_1029] {strides = array<i32>} : memref<128x128xf32, #tpu.memory_space<vmem>>, vector<1x16xf32>,
        %swap3A_1031 = vector.shape_cast %swap3A_1030 : vector<1x16xf32> to vector<16xf32>
        %swap3A_1032 = vector.shape_cast %mul3A_1027 : vector<16xf32> to vector<1x16xf32>
        tpu.vector_store %arg11[%swap3A_1028, %swap3A_1029], %swap3A_1032 {strides = array<i32>} : memref<128x128xf32, #tpu.memory_space<vmem>>, vector<1x16xf32>,
        %get3A_1033 = arith.index_cast %add3A_969 : i32 to index
        %get3A_1034 = arith.constant 96 : index
        %get3A_1035 = tpu.vector_load %arg11[%get3A_1033, %get3A_1034] {strides = array<i32>} : memref<128x128xf32, #tpu.memory_space<vmem>>, vector<1x16xf32>,
        %get3A_1036 = vector.shape_cast %get3A_1035 : vector<1x16xf32> to vector<16xf32>
        %mul3A_1037 = arith.mulf %get3A_1036, %broadcast_in_dim3A_972 : vector<16xf32>
        %swap3A_1038 = arith.index_cast %add3A_969 : i32 to index
        %swap3A_1039 = arith.constant 96 : index
        %swap3A_1040 = tpu.vector_load %arg11[%swap3A_1038, %swap3A_1039] {strides = array<i32>} : memref<128x128xf32, #tpu.memory_space<vmem>>, vector<1x16xf32>,
        %swap3A_1041 = vector.shape_cast %swap3A_1040 : vector<1x16xf32> to vector<16xf32>
        %swap3A_1042 = vector.shape_cast %mul3A_1037 : vector<16xf32> to vector<1x16xf32>
        tpu.vector_store %arg11[%swap3A_1038, %swap3A_1039], %swap3A_1042 {strides = array<i32>} : memref<128x128xf32, #tpu.memory_space<vmem>>, vector<1x16xf32>,
        %get3A_1043 = arith.index_cast %add3A_969 : i32 to index
        %get3A_1044 = arith.constant 112 : index
        %get3A_1045 = tpu.vector_load %arg11[%get3A_1043, %get3A_1044] {strides = array<i32>} : memref<128x128xf32, #tpu.memory_space<vmem>>, vector<1x16xf32>,
        %get3A_1046 = vector.shape_cast %get3A_1045 : vector<1x16xf32> to vector<16xf32>
        %mul3A_1047 = arith.mulf %get3A_1046, %broadcast_in_dim3A_972 : vector<16xf32>
        %swap3A_1048 = arith.index_cast %add3A_969 : i32 to index
        %swap3A_1049 = arith.constant 112 : index
        %swap3A_1050 = tpu.vector_load %arg11[%swap3A_1048, %swap3A_1049] {strides = array<i32>} : memref<128x128xf32, #tpu.memory_space<vmem>>, vector<1x16xf32>,
        %swap3A_1051 = vector.shape_cast %swap3A_1050 : vector<1x16xf32> to vector<16xf32>
        %swap3A_1052 = vector.shape_cast %mul3A_1047 : vector<16xf32> to vector<1x16xf32>
        tpu.vector_store %arg11[%swap3A_1048, %swap3A_1049], %swap3A_1052 {strides = array<i32>} : memref<128x128xf32, #tpu.memory_space<vmem>>, vector<1x16xf32>,
        %add3A_1053 = arith.constant 12 : i32
        %add3A_1054 = arith.addi %mul3A_33, %add3A_1053 : i32
        %slice3A_1055 = vector.extract_strided_slice %get3A_36 {offsets = [12], sizes = [1], strides = [1]} : vector<16xf32> to vector<1xf32>
        %squeeze3A_1056 = vector.extract %slice3A_1055[0] : f32 from vector<1xf32>
        %broadcast_in_dim3A_1057 = vector.broadcast %squeeze3A_1056 : f32 to vector<16xf32>
        %get3A_1058 = arith.index_cast %add3A_1054 : i32 to index
        %get3A_1059 = arith.constant 0 : index
        %get3A_1060 = tpu.vector_load %arg11[%get3A_1058, %get3A_1059] {strides = array<i32>} : memref<128x128xf32, #tpu.memory_space<vmem>>, vector<1x16xf32>,
        %get3A_1061 = vector.shape_cast %get3A_1060 : vector<1x16xf32> to vector<16xf32>
        %mul3A_1062 = arith.mulf %get3A_1061, %broadcast_in_dim3A_1057 : vector<16xf32>
        %swap3A_1063 = arith.index_cast %add3A_1054 : i32 to index
        %swap3A_1064 = arith.constant 0 : index
        %swap3A_1065 = tpu.vector_load %arg11[%swap3A_1063, %swap3A_1064] {strides = array<i32>} : memref<128x128xf32, #tpu.memory_space<vmem>>, vector<1x16xf32>,
        %swap3A_1066 = vector.shape_cast %swap3A_1065 : vector<1x16xf32> to vector<16xf32>
        %swap3A_1067 = vector.shape_cast %mul3A_1062 : vector<16xf32> to vector<1x16xf32>
        tpu.vector_store %arg11[%swap3A_1063, %swap3A_1064], %swap3A_1067 {strides = array<i32>} : memref<128x128xf32, #tpu.memory_space<vmem>>, vector<1x16xf32>,
        %get3A_1068 = arith.index_cast %add3A_1054 : i32 to index
        %get3A_1069 = arith.constant 16 : index
        %get3A_1070 = tpu.vector_load %arg11[%get3A_1068, %get3A_1069] {strides = array<i32>} : memref<128x128xf32, #tpu.memory_space<vmem>>, vector<1x16xf32>,
        %get3A_1071 = vector.shape_cast %get3A_1070 : vector<1x16xf32> to vector<16xf32>
        %mul3A_1072 = arith.mulf %get3A_1071, %broadcast_in_dim3A_1057 : vector<16xf32>
        %swap3A_1073 = arith.index_cast %add3A_1054 : i32 to index
        %swap3A_1074 = arith.constant 16 : index
        %swap3A_1075 = tpu.vector_load %arg11[%swap3A_1073, %swap3A_1074] {strides = array<i32>} : memref<128x128xf32, #tpu.memory_space<vmem>>, vector<1x16xf32>,
        %swap3A_1076 = vector.shape_cast %swap3A_1075 : vector<1x16xf32> to vector<16xf32>
        %swap3A_1077 = vector.shape_cast %mul3A_1072 : vector<16xf32> to vector<1x16xf32>
        tpu.vector_store %arg11[%swap3A_1073, %swap3A_1074], %swap3A_1077 {strides = array<i32>} : memref<128x128xf32, #tpu.memory_space<vmem>>, vector<1x16xf32>,
        %get3A_1078 = arith.index_cast %add3A_1054 : i32 to index
        %get3A_1079 = arith.constant 32 : index
        %get3A_1080 = tpu.vector_load %arg11[%get3A_1078, %get3A_1079] {strides = array<i32>} : memref<128x128xf32, #tpu.memory_space<vmem>>, vector<1x16xf32>,
        %get3A_1081 = vector.shape_cast %get3A_1080 : vector<1x16xf32> to vector<16xf32>
        %mul3A_1082 = arith.mulf %get3A_1081, %broadcast_in_dim3A_1057 : vector<16xf32>
        %swap3A_1083 = arith.index_cast %add3A_1054 : i32 to index
        %swap3A_1084 = arith.constant 32 : index
        %swap3A_1085 = tpu.vector_load %arg11[%swap3A_1083, %swap3A_1084] {strides = array<i32>} : memref<128x128xf32, #tpu.memory_space<vmem>>, vector<1x16xf32>,
        %swap3A_1086 = vector.shape_cast %swap3A_1085 : vector<1x16xf32> to vector<16xf32>
        %swap3A_1087 = vector.shape_cast %mul3A_1082 : vector<16xf32> to vector<1x16xf32>
        tpu.vector_store %arg11[%swap3A_1083, %swap3A_1084], %swap3A_1087 {strides = array<i32>} : memref<128x128xf32, #tpu.memory_space<vmem>>, vector<1x16xf32>,
        %get3A_1088 = arith.index_cast %add3A_1054 : i32 to index
        %get3A_1089 = arith.constant 48 : index
        %get3A_1090 = tpu.vector_load %arg11[%get3A_1088, %get3A_1089] {strides = array<i32>} : memref<128x128xf32, #tpu.memory_space<vmem>>, vector<1x16xf32>,
        %get3A_1091 = vector.shape_cast %get3A_1090 : vector<1x16xf32> to vector<16xf32>
        %mul3A_1092 = arith.mulf %get3A_1091, %broadcast_in_dim3A_1057 : vector<16xf32>
        %swap3A_1093 = arith.index_cast %add3A_1054 : i32 to index
        %swap3A_1094 = arith.constant 48 : index
        %swap3A_1095 = tpu.vector_load %arg11[%swap3A_1093, %swap3A_1094] {strides = array<i32>} : memref<128x128xf32, #tpu.memory_space<vmem>>, vector<1x16xf32>,
        %swap3A_1096 = vector.shape_cast %swap3A_1095 : vector<1x16xf32> to vector<16xf32>
        %swap3A_1097 = vector.shape_cast %mul3A_1092 : vector<16xf32> to vector<1x16xf32>
        tpu.vector_store %arg11[%swap3A_1093, %swap3A_1094], %swap3A_1097 {strides = array<i32>} : memref<128x128xf32, #tpu.memory_space<vmem>>, vector<1x16xf32>,
        %get3A_1098 = arith.index_cast %add3A_1054 : i32 to index
        %get3A_1099 = arith.constant 64 : index
        %get3A_1100 = tpu.vector_load %arg11[%get3A_1098, %get3A_1099] {strides = array<i32>} : memref<128x128xf32, #tpu.memory_space<vmem>>, vector<1x16xf32>,
        %get3A_1101 = vector.shape_cast %get3A_1100 : vector<1x16xf32> to vector<16xf32>
        %mul3A_1102 = arith.mulf %get3A_1101, %broadcast_in_dim3A_1057 : vector<16xf32>
        %swap3A_1103 = arith.index_cast %add3A_1054 : i32 to index
        %swap3A_1104 = arith.constant 64 : index
        %swap3A_1105 = tpu.vector_load %arg11[%swap3A_1103, %swap3A_1104] {strides = array<i32>} : memref<128x128xf32, #tpu.memory_space<vmem>>, vector<1x16xf32>,
        %swap3A_1106 = vector.shape_cast %swap3A_1105 : vector<1x16xf32> to vector<16xf32>
        %swap3A_1107 = vector.shape_cast %mul3A_1102 : vector<16xf32> to vector<1x16xf32>
        tpu.vector_store %arg11[%swap3A_1103, %swap3A_1104], %swap3A_1107 {strides = array<i32>} : memref<128x128xf32, #tpu.memory_space<vmem>>, vector<1x16xf32>,
        %get3A_1108 = arith.index_cast %add3A_1054 : i32 to index
        %get3A_1109 = arith.constant 80 : index
        %get3A_1110 = tpu.vector_load %arg11[%get3A_1108, %get3A_1109] {strides = array<i32>} : memref<128x128xf32, #tpu.memory_space<vmem>>, vector<1x16xf32>,
        %get3A_1111 = vector.shape_cast %get3A_1110 : vector<1x16xf32> to vector<16xf32>
        %mul3A_1112 = arith.mulf %get3A_1111, %broadcast_in_dim3A_1057 : vector<16xf32>
        %swap3A_1113 = arith.index_cast %add3A_1054 : i32 to index
        %swap3A_1114 = arith.constant 80 : index
        %swap3A_1115 = tpu.vector_load %arg11[%swap3A_1113, %swap3A_1114] {strides = array<i32>} : memref<128x128xf32, #tpu.memory_space<vmem>>, vector<1x16xf32>,
        %swap3A_1116 = vector.shape_cast %swap3A_1115 : vector<1x16xf32> to vector<16xf32>
        %swap3A_1117 = vector.shape_cast %mul3A_1112 : vector<16xf32> to vector<1x16xf32>
        tpu.vector_store %arg11[%swap3A_1113, %swap3A_1114], %swap3A_1117 {strides = array<i32>} : memref<128x128xf32, #tpu.memory_space<vmem>>, vector<1x16xf32>,
        %get3A_1118 = arith.index_cast %add3A_1054 : i32 to index
        %get3A_1119 = arith.constant 96 : index
        %get3A_1120 = tpu.vector_load %arg11[%get3A_1118, %get3A_1119] {strides = array<i32>} : memref<128x128xf32, #tpu.memory_space<vmem>>, vector<1x16xf32>,
        %get3A_1121 = vector.shape_cast %get3A_1120 : vector<1x16xf32> to vector<16xf32>
        %mul3A_1122 = arith.mulf %get3A_1121, %broadcast_in_dim3A_1057 : vector<16xf32>
        %swap3A_1123 = arith.index_cast %add3A_1054 : i32 to index
        %swap3A_1124 = arith.constant 96 : index
        %swap3A_1125 = tpu.vector_load %arg11[%swap3A_1123, %swap3A_1124] {strides = array<i32>} : memref<128x128xf32, #tpu.memory_space<vmem>>, vector<1x16xf32>,
        %swap3A_1126 = vector.shape_cast %swap3A_1125 : vector<1x16xf32> to vector<16xf32>
        %swap3A_1127 = vector.shape_cast %mul3A_1122 : vector<16xf32> to vector<1x16xf32>
        tpu.vector_store %arg11[%swap3A_1123, %swap3A_1124], %swap3A_1127 {strides = array<i32>} : memref<128x128xf32, #tpu.memory_space<vmem>>, vector<1x16xf32>,
        %get3A_1128 = arith.index_cast %add3A_1054 : i32 to index
        %get3A_1129 = arith.constant 112 : index
        %get3A_1130 = tpu.vector_load %arg11[%get3A_1128, %get3A_1129] {strides = array<i32>} : memref<128x128xf32, #tpu.memory_space<vmem>>, vector<1x16xf32>,
        %get3A_1131 = vector.shape_cast %get3A_1130 : vector<1x16xf32> to vector<16xf32>
        %mul3A_1132 = arith.mulf %get3A_1131, %broadcast_in_dim3A_1057 : vector<16xf32>
        %swap3A_1133 = arith.index_cast %add3A_1054 : i32 to index
        %swap3A_1134 = arith.constant 112 : index
        %swap3A_1135 = tpu.vector_load %arg11[%swap3A_1133, %swap3A_1134] {strides = array<i32>} : memref<128x128xf32, #tpu.memory_space<vmem>>, vector<1x16xf32>,
        %swap3A_1136 = vector.shape_cast %swap3A_1135 : vector<1x16xf32> to vector<16xf32>
        %swap3A_1137 = vector.shape_cast %mul3A_1132 : vector<16xf32> to vector<1x16xf32>
        tpu.vector_store %arg11[%swap3A_1133, %swap3A_1134], %swap3A_1137 {strides = array<i32>} : memref<128x128xf32, #tpu.memory_space<vmem>>, vector<1x16xf32>,
        %add3A_1138 = arith.constant 13 : i32
        %add3A_1139 = arith.addi %mul3A_33, %add3A_1138 : i32
        %slice3A_1140 = vector.extract_strided_slice %get3A_36 {offsets = [13], sizes = [1], strides = [1]} : vector<16xf32> to vector<1xf32>
        %squeeze3A_1141 = vector.extract %slice3A_1140[0] : f32 from vector<1xf32>
        %broadcast_in_dim3A_1142 = vector.broadcast %squeeze3A_1141 : f32 to vector<16xf32>
        %get3A_1143 = arith.index_cast %add3A_1139 : i32 to index
        %get3A_1144 = arith.constant 0 : index
        %get3A_1145 = tpu.vector_load %arg11[%get3A_1143, %get3A_1144] {strides = array<i32>} : memref<128x128xf32, #tpu.memory_space<vmem>>, vector<1x16xf32>,
        %get3A_1146 = vector.shape_cast %get3A_1145 : vector<1x16xf32> to vector<16xf32>
        %mul3A_1147 = arith.mulf %get3A_1146, %broadcast_in_dim3A_1142 : vector<16xf32>
        %swap3A_1148 = arith.index_cast %add3A_1139 : i32 to index
        %swap3A_1149 = arith.constant 0 : index
        %swap3A_1150 = tpu.vector_load %arg11[%swap3A_1148, %swap3A_1149] {strides = array<i32>} : memref<128x128xf32, #tpu.memory_space<vmem>>, vector<1x16xf32>,
        %swap3A_1151 = vector.shape_cast %swap3A_1150 : vector<1x16xf32> to vector<16xf32>
        %swap3A_1152 = vector.shape_cast %mul3A_1147 : vector<16xf32> to vector<1x16xf32>
        tpu.vector_store %arg11[%swap3A_1148, %swap3A_1149], %swap3A_1152 {strides = array<i32>} : memref<128x128xf32, #tpu.memory_space<vmem>>, vector<1x16xf32>,
        %get3A_1153 = arith.index_cast %add3A_1139 : i32 to index
        %get3A_1154 = arith.constant 16 : index
        %get3A_1155 = tpu.vector_load %arg11[%get3A_1153, %get3A_1154] {strides = array<i32>} : memref<128x128xf32, #tpu.memory_space<vmem>>, vector<1x16xf32>,
        %get3A_1156 = vector.shape_cast %get3A_1155 : vector<1x16xf32> to vector<16xf32>
        %mul3A_1157 = arith.mulf %get3A_1156, %broadcast_in_dim3A_1142 : vector<16xf32>
        %swap3A_1158 = arith.index_cast %add3A_1139 : i32 to index
        %swap3A_1159 = arith.constant 16 : index
        %swap3A_1160 = tpu.vector_load %arg11[%swap3A_1158, %swap3A_1159] {strides = array<i32>} : memref<128x128xf32, #tpu.memory_space<vmem>>, vector<1x16xf32>,
        %swap3A_1161 = vector.shape_cast %swap3A_1160 : vector<1x16xf32> to vector<16xf32>
        %swap3A_1162 = vector.shape_cast %mul3A_1157 : vector<16xf32> to vector<1x16xf32>
        tpu.vector_store %arg11[%swap3A_1158, %swap3A_1159], %swap3A_1162 {strides = array<i32>} : memref<128x128xf32, #tpu.memory_space<vmem>>, vector<1x16xf32>,
        %get3A_1163 = arith.index_cast %add3A_1139 : i32 to index
        %get3A_1164 = arith.constant 32 : index
        %get3A_1165 = tpu.vector_load %arg11[%get3A_1163, %get3A_1164] {strides = array<i32>} : memref<128x128xf32, #tpu.memory_space<vmem>>, vector<1x16xf32>,
        %get3A_1166 = vector.shape_cast %get3A_1165 : vector<1x16xf32> to vector<16xf32>
        %mul3A_1167 = arith.mulf %get3A_1166, %broadcast_in_dim3A_1142 : vector<16xf32>
        %swap3A_1168 = arith.index_cast %add3A_1139 : i32 to index
        %swap3A_1169 = arith.constant 32 : index
        %swap3A_1170 = tpu.vector_load %arg11[%swap3A_1168, %swap3A_1169] {strides = array<i32>} : memref<128x128xf32, #tpu.memory_space<vmem>>, vector<1x16xf32>,
        %swap3A_1171 = vector.shape_cast %swap3A_1170 : vector<1x16xf32> to vector<16xf32>
        %swap3A_1172 = vector.shape_cast %mul3A_1167 : vector<16xf32> to vector<1x16xf32>
        tpu.vector_store %arg11[%swap3A_1168, %swap3A_1169], %swap3A_1172 {strides = array<i32>} : memref<128x128xf32, #tpu.memory_space<vmem>>, vector<1x16xf32>,
        %get3A_1173 = arith.index_cast %add3A_1139 : i32 to index
        %get3A_1174 = arith.constant 48 : index
        %get3A_1175 = tpu.vector_load %arg11[%get3A_1173, %get3A_1174] {strides = array<i32>} : memref<128x128xf32, #tpu.memory_space<vmem>>, vector<1x16xf32>,
        %get3A_1176 = vector.shape_cast %get3A_1175 : vector<1x16xf32> to vector<16xf32>
        %mul3A_1177 = arith.mulf %get3A_1176, %broadcast_in_dim3A_1142 : vector<16xf32>
        %swap3A_1178 = arith.index_cast %add3A_1139 : i32 to index
        %swap3A_1179 = arith.constant 48 : index
        %swap3A_1180 = tpu.vector_load %arg11[%swap3A_1178, %swap3A_1179] {strides = array<i32>} : memref<128x128xf32, #tpu.memory_space<vmem>>, vector<1x16xf32>,
        %swap3A_1181 = vector.shape_cast %swap3A_1180 : vector<1x16xf32> to vector<16xf32>
        %swap3A_1182 = vector.shape_cast %mul3A_1177 : vector<16xf32> to vector<1x16xf32>
        tpu.vector_store %arg11[%swap3A_1178, %swap3A_1179], %swap3A_1182 {strides = array<i32>} : memref<128x128xf32, #tpu.memory_space<vmem>>, vector<1x16xf32>,
        %get3A_1183 = arith.index_cast %add3A_1139 : i32 to index
        %get3A_1184 = arith.constant 64 : index
        %get3A_1185 = tpu.vector_load %arg11[%get3A_1183, %get3A_1184] {strides = array<i32>} : memref<128x128xf32, #tpu.memory_space<vmem>>, vector<1x16xf32>,
        %get3A_1186 = vector.shape_cast %get3A_1185 : vector<1x16xf32> to vector<16xf32>
        %mul3A_1187 = arith.mulf %get3A_1186, %broadcast_in_dim3A_1142 : vector<16xf32>
        %swap3A_1188 = arith.index_cast %add3A_1139 : i32 to index
        %swap3A_1189 = arith.constant 64 : index
        %swap3A_1190 = tpu.vector_load %arg11[%swap3A_1188, %swap3A_1189] {strides = array<i32>} : memref<128x128xf32, #tpu.memory_space<vmem>>, vector<1x16xf32>,
        %swap3A_1191 = vector.shape_cast %swap3A_1190 : vector<1x16xf32> to vector<16xf32>
        %swap3A_1192 = vector.shape_cast %mul3A_1187 : vector<16xf32> to vector<1x16xf32>
        tpu.vector_store %arg11[%swap3A_1188, %swap3A_1189], %swap3A_1192 {strides = array<i32>} : memref<128x128xf32, #tpu.memory_space<vmem>>, vector<1x16xf32>,
        %get3A_1193 = arith.index_cast %add3A_1139 : i32 to index
        %get3A_1194 = arith.constant 80 : index
        %get3A_1195 = tpu.vector_load %arg11[%get3A_1193, %get3A_1194] {strides = array<i32>} : memref<128x128xf32, #tpu.memory_space<vmem>>, vector<1x16xf32>,
        %get3A_1196 = vector.shape_cast %get3A_1195 : vector<1x16xf32> to vector<16xf32>
        %mul3A_1197 = arith.mulf %get3A_1196, %broadcast_in_dim3A_1142 : vector<16xf32>
        %swap3A_1198 = arith.index_cast %add3A_1139 : i32 to index
        %swap3A_1199 = arith.constant 80 : index
        %swap3A_1200 = tpu.vector_load %arg11[%swap3A_1198, %swap3A_1199] {strides = array<i32>} : memref<128x128xf32, #tpu.memory_space<vmem>>, vector<1x16xf32>,
        %swap3A_1201 = vector.shape_cast %swap3A_1200 : vector<1x16xf32> to vector<16xf32>
        %swap3A_1202 = vector.shape_cast %mul3A_1197 : vector<16xf32> to vector<1x16xf32>
        tpu.vector_store %arg11[%swap3A_1198, %swap3A_1199], %swap3A_1202 {strides = array<i32>} : memref<128x128xf32, #tpu.memory_space<vmem>>, vector<1x16xf32>,
        %get3A_1203 = arith.index_cast %add3A_1139 : i32 to index
        %get3A_1204 = arith.constant 96 : index
        %get3A_1205 = tpu.vector_load %arg11[%get3A_1203, %get3A_1204] {strides = array<i32>} : memref<128x128xf32, #tpu.memory_space<vmem>>, vector<1x16xf32>,
        %get3A_1206 = vector.shape_cast %get3A_1205 : vector<1x16xf32> to vector<16xf32>
        %mul3A_1207 = arith.mulf %get3A_1206, %broadcast_in_dim3A_1142 : vector<16xf32>
        %swap3A_1208 = arith.index_cast %add3A_1139 : i32 to index
        %swap3A_1209 = arith.constant 96 : index
        %swap3A_1210 = tpu.vector_load %arg11[%swap3A_1208, %swap3A_1209] {strides = array<i32>} : memref<128x128xf32, #tpu.memory_space<vmem>>, vector<1x16xf32>,
        %swap3A_1211 = vector.shape_cast %swap3A_1210 : vector<1x16xf32> to vector<16xf32>
        %swap3A_1212 = vector.shape_cast %mul3A_1207 : vector<16xf32> to vector<1x16xf32>
        tpu.vector_store %arg11[%swap3A_1208, %swap3A_1209], %swap3A_1212 {strides = array<i32>} : memref<128x128xf32, #tpu.memory_space<vmem>>, vector<1x16xf32>,
        %get3A_1213 = arith.index_cast %add3A_1139 : i32 to index
        %get3A_1214 = arith.constant 112 : index
        %get3A_1215 = tpu.vector_load %arg11[%get3A_1213, %get3A_1214] {strides = array<i32>} : memref<128x128xf32, #tpu.memory_space<vmem>>, vector<1x16xf32>,
        %get3A_1216 = vector.shape_cast %get3A_1215 : vector<1x16xf32> to vector<16xf32>
        %mul3A_1217 = arith.mulf %get3A_1216, %broadcast_in_dim3A_1142 : vector<16xf32>
        %swap3A_1218 = arith.index_cast %add3A_1139 : i32 to index
        %swap3A_1219 = arith.constant 112 : index
        %swap3A_1220 = tpu.vector_load %arg11[%swap3A_1218, %swap3A_1219] {strides = array<i32>} : memref<128x128xf32, #tpu.memory_space<vmem>>, vector<1x16xf32>,
        %swap3A_1221 = vector.shape_cast %swap3A_1220 : vector<1x16xf32> to vector<16xf32>
        %swap3A_1222 = vector.shape_cast %mul3A_1217 : vector<16xf32> to vector<1x16xf32>
        tpu.vector_store %arg11[%swap3A_1218, %swap3A_1219], %swap3A_1222 {strides = array<i32>} : memref<128x128xf32, #tpu.memory_space<vmem>>, vector<1x16xf32>,
        %add3A_1223 = arith.constant 14 : i32
        %add3A_1224 = arith.addi %mul3A_33, %add3A_1223 : i32
        %slice3A_1225 = vector.extract_strided_slice %get3A_36 {offsets = [14], sizes = [1], strides = [1]} : vector<16xf32> to vector<1xf32>
        %squeeze3A_1226 = vector.extract %slice3A_1225[0] : f32 from vector<1xf32>
        %broadcast_in_dim3A_1227 = vector.broadcast %squeeze3A_1226 : f32 to vector<16xf32>
        %get3A_1228 = arith.index_cast %add3A_1224 : i32 to index
        %get3A_1229 = arith.constant 0 : index
        %get3A_1230 = tpu.vector_load %arg11[%get3A_1228, %get3A_1229] {strides = array<i32>} : memref<128x128xf32, #tpu.memory_space<vmem>>, vector<1x16xf32>,
        %get3A_1231 = vector.shape_cast %get3A_1230 : vector<1x16xf32> to vector<16xf32>
        %mul3A_1232 = arith.mulf %get3A_1231, %broadcast_in_dim3A_1227 : vector<16xf32>
        %swap3A_1233 = arith.index_cast %add3A_1224 : i32 to index
        %swap3A_1234 = arith.constant 0 : index
        %swap3A_1235 = tpu.vector_load %arg11[%swap3A_1233, %swap3A_1234] {strides = array<i32>} : memref<128x128xf32, #tpu.memory_space<vmem>>, vector<1x16xf32>,
        %swap3A_1236 = vector.shape_cast %swap3A_1235 : vector<1x16xf32> to vector<16xf32>
        %swap3A_1237 = vector.shape_cast %mul3A_1232 : vector<16xf32> to vector<1x16xf32>
        tpu.vector_store %arg11[%swap3A_1233, %swap3A_1234], %swap3A_1237 {strides = array<i32>} : memref<128x128xf32, #tpu.memory_space<vmem>>, vector<1x16xf32>,
        %get3A_1238 = arith.index_cast %add3A_1224 : i32 to index
        %get3A_1239 = arith.constant 16 : index
        %get3A_1240 = tpu.vector_load %arg11[%get3A_1238, %get3A_1239] {strides = array<i32>} : memref<128x128xf32, #tpu.memory_space<vmem>>, vector<1x16xf32>,
        %get3A_1241 = vector.shape_cast %get3A_1240 : vector<1x16xf32> to vector<16xf32>
        %mul3A_1242 = arith.mulf %get3A_1241, %broadcast_in_dim3A_1227 : vector<16xf32>
        %swap3A_1243 = arith.index_cast %add3A_1224 : i32 to index
        %swap3A_1244 = arith.constant 16 : index
        %swap3A_1245 = tpu.vector_load %arg11[%swap3A_1243, %swap3A_1244] {strides = array<i32>} : memref<128x128xf32, #tpu.memory_space<vmem>>, vector<1x16xf32>,
        %swap3A_1246 = vector.shape_cast %swap3A_1245 : vector<1x16xf32> to vector<16xf32>
        %swap3A_1247 = vector.shape_cast %mul3A_1242 : vector<16xf32> to vector<1x16xf32>
        tpu.vector_store %arg11[%swap3A_1243, %swap3A_1244], %swap3A_1247 {strides = array<i32>} : memref<128x128xf32, #tpu.memory_space<vmem>>, vector<1x16xf32>,
        %get3A_1248 = arith.index_cast %add3A_1224 : i32 to index
        %get3A_1249 = arith.constant 32 : index
        %get3A_1250 = tpu.vector_load %arg11[%get3A_1248, %get3A_1249] {strides = array<i32>} : memref<128x128xf32, #tpu.memory_space<vmem>>, vector<1x16xf32>,
        %get3A_1251 = vector.shape_cast %get3A_1250 : vector<1x16xf32> to vector<16xf32>
        %mul3A_1252 = arith.mulf %get3A_1251, %broadcast_in_dim3A_1227 : vector<16xf32>
        %swap3A_1253 = arith.index_cast %add3A_1224 : i32 to index
        %swap3A_1254 = arith.constant 32 : index
        %swap3A_1255 = tpu.vector_load %arg11[%swap3A_1253, %swap3A_1254] {strides = array<i32>} : memref<128x128xf32, #tpu.memory_space<vmem>>, vector<1x16xf32>,
        %swap3A_1256 = vector.shape_cast %swap3A_1255 : vector<1x16xf32> to vector<16xf32>
        %swap3A_1257 = vector.shape_cast %mul3A_1252 : vector<16xf32> to vector<1x16xf32>
        tpu.vector_store %arg11[%swap3A_1253, %swap3A_1254], %swap3A_1257 {strides = array<i32>} : memref<128x128xf32, #tpu.memory_space<vmem>>, vector<1x16xf32>,
        %get3A_1258 = arith.index_cast %add3A_1224 : i32 to index
        %get3A_1259 = arith.constant 48 : index
        %get3A_1260 = tpu.vector_load %arg11[%get3A_1258, %get3A_1259] {strides = array<i32>} : memref<128x128xf32, #tpu.memory_space<vmem>>, vector<1x16xf32>,
        %get3A_1261 = vector.shape_cast %get3A_1260 : vector<1x16xf32> to vector<16xf32>
        %mul3A_1262 = arith.mulf %get3A_1261, %broadcast_in_dim3A_1227 : vector<16xf32>
        %swap3A_1263 = arith.index_cast %add3A_1224 : i32 to index
        %swap3A_1264 = arith.constant 48 : index
        %swap3A_1265 = tpu.vector_load %arg11[%swap3A_1263, %swap3A_1264] {strides = array<i32>} : memref<128x128xf32, #tpu.memory_space<vmem>>, vector<1x16xf32>,
        %swap3A_1266 = vector.shape_cast %swap3A_1265 : vector<1x16xf32> to vector<16xf32>
        %swap3A_1267 = vector.shape_cast %mul3A_1262 : vector<16xf32> to vector<1x16xf32>
        tpu.vector_store %arg11[%swap3A_1263, %swap3A_1264], %swap3A_1267 {strides = array<i32>} : memref<128x128xf32, #tpu.memory_space<vmem>>, vector<1x16xf32>,
        %get3A_1268 = arith.index_cast %add3A_1224 : i32 to index
        %get3A_1269 = arith.constant 64 : index
        %get3A_1270 = tpu.vector_load %arg11[%get3A_1268, %get3A_1269] {strides = array<i32>} : memref<128x128xf32, #tpu.memory_space<vmem>>, vector<1x16xf32>,
        %get3A_1271 = vector.shape_cast %get3A_1270 : vector<1x16xf32> to vector<16xf32>
        %mul3A_1272 = arith.mulf %get3A_1271, %broadcast_in_dim3A_1227 : vector<16xf32>
        %swap3A_1273 = arith.index_cast %add3A_1224 : i32 to index
        %swap3A_1274 = arith.constant 64 : index
        %swap3A_1275 = tpu.vector_load %arg11[%swap3A_1273, %swap3A_1274] {strides = array<i32>} : memref<128x128xf32, #tpu.memory_space<vmem>>, vector<1x16xf32>,
        %swap3A_1276 = vector.shape_cast %swap3A_1275 : vector<1x16xf32> to vector<16xf32>
        %swap3A_1277 = vector.shape_cast %mul3A_1272 : vector<16xf32> to vector<1x16xf32>
        tpu.vector_store %arg11[%swap3A_1273, %swap3A_1274], %swap3A_1277 {strides = array<i32>} : memref<128x128xf32, #tpu.memory_space<vmem>>, vector<1x16xf32>,
        %get3A_1278 = arith.index_cast %add3A_1224 : i32 to index
        %get3A_1279 = arith.constant 80 : index
        %get3A_1280 = tpu.vector_load %arg11[%get3A_1278, %get3A_1279] {strides = array<i32>} : memref<128x128xf32, #tpu.memory_space<vmem>>, vector<1x16xf32>,
        %get3A_1281 = vector.shape_cast %get3A_1280 : vector<1x16xf32> to vector<16xf32>
        %mul3A_1282 = arith.mulf %get3A_1281, %broadcast_in_dim3A_1227 : vector<16xf32>
        %swap3A_1283 = arith.index_cast %add3A_1224 : i32 to index
        %swap3A_1284 = arith.constant 80 : index
        %swap3A_1285 = tpu.vector_load %arg11[%swap3A_1283, %swap3A_1284] {strides = array<i32>} : memref<128x128xf32, #tpu.memory_space<vmem>>, vector<1x16xf32>,
        %swap3A_1286 = vector.shape_cast %swap3A_1285 : vector<1x16xf32> to vector<16xf32>
        %swap3A_1287 = vector.shape_cast %mul3A_1282 : vector<16xf32> to vector<1x16xf32>
        tpu.vector_store %arg11[%swap3A_1283, %swap3A_1284], %swap3A_1287 {strides = array<i32>} : memref<128x128xf32, #tpu.memory_space<vmem>>, vector<1x16xf32>,
        %get3A_1288 = arith.index_cast %add3A_1224 : i32 to index
        %get3A_1289 = arith.constant 96 : index
        %get3A_1290 = tpu.vector_load %arg11[%get3A_1288, %get3A_1289] {strides = array<i32>} : memref<128x128xf32, #tpu.memory_space<vmem>>, vector<1x16xf32>,
        %get3A_1291 = vector.shape_cast %get3A_1290 : vector<1x16xf32> to vector<16xf32>
        %mul3A_1292 = arith.mulf %get3A_1291, %broadcast_in_dim3A_1227 : vector<16xf32>
        %swap3A_1293 = arith.index_cast %add3A_1224 : i32 to index
        %swap3A_1294 = arith.constant 96 : index
        %swap3A_1295 = tpu.vector_load %arg11[%swap3A_1293, %swap3A_1294] {strides = array<i32>} : memref<128x128xf32, #tpu.memory_space<vmem>>, vector<1x16xf32>,
        %swap3A_1296 = vector.shape_cast %swap3A_1295 : vector<1x16xf32> to vector<16xf32>
        %swap3A_1297 = vector.shape_cast %mul3A_1292 : vector<16xf32> to vector<1x16xf32>
        tpu.vector_store %arg11[%swap3A_1293, %swap3A_1294], %swap3A_1297 {strides = array<i32>} : memref<128x128xf32, #tpu.memory_space<vmem>>, vector<1x16xf32>,
        %get3A_1298 = arith.index_cast %add3A_1224 : i32 to index
        %get3A_1299 = arith.constant 112 : index
        %get3A_1300 = tpu.vector_load %arg11[%get3A_1298, %get3A_1299] {strides = array<i32>} : memref<128x128xf32, #tpu.memory_space<vmem>>, vector<1x16xf32>,
        %get3A_1301 = vector.shape_cast %get3A_1300 : vector<1x16xf32> to vector<16xf32>
        %mul3A_1302 = arith.mulf %get3A_1301, %broadcast_in_dim3A_1227 : vector<16xf32>
        %swap3A_1303 = arith.index_cast %add3A_1224 : i32 to index
        %swap3A_1304 = arith.constant 112 : index
        %swap3A_1305 = tpu.vector_load %arg11[%swap3A_1303, %swap3A_1304] {strides = array<i32>} : memref<128x128xf32, #tpu.memory_space<vmem>>, vector<1x16xf32>,
        %swap3A_1306 = vector.shape_cast %swap3A_1305 : vector<1x16xf32> to vector<16xf32>
        %swap3A_1307 = vector.shape_cast %mul3A_1302 : vector<16xf32> to vector<1x16xf32>
        tpu.vector_store %arg11[%swap3A_1303, %swap3A_1304], %swap3A_1307 {strides = array<i32>} : memref<128x128xf32, #tpu.memory_space<vmem>>, vector<1x16xf32>,
        %add3A_1308 = arith.constant 15 : i32
        %add3A_1309 = arith.addi %mul3A_33, %add3A_1308 : i32
        %slice3A_1310 = vector.extract_strided_slice %get3A_36 {offsets = [15], sizes = [1], strides = [1]} : vector<16xf32> to vector<1xf32>
        %squeeze3A_1311 = vector.extract %slice3A_1310[0] : f32 from vector<1xf32>
        %broadcast_in_dim3A_1312 = vector.broadcast %squeeze3A_1311 : f32 to vector<16xf32>
        %get3A_1313 = arith.index_cast %add3A_1309 : i32 to index
        %get3A_1314 = arith.constant 0 : index
        %get3A_1315 = tpu.vector_load %arg11[%get3A_1313, %get3A_1314] {strides = array<i32>} : memref<128x128xf32, #tpu.memory_space<vmem>>, vector<1x16xf32>,
        %get3A_1316 = vector.shape_cast %get3A_1315 : vector<1x16xf32> to vector<16xf32>
        %mul3A_1317 = arith.mulf %get3A_1316, %broadcast_in_dim3A_1312 : vector<16xf32>
        %swap3A_1318 = arith.index_cast %add3A_1309 : i32 to index
        %swap3A_1319 = arith.constant 0 : index
        %swap3A_1320 = tpu.vector_load %arg11[%swap3A_1318, %swap3A_1319] {strides = array<i32>} : memref<128x128xf32, #tpu.memory_space<vmem>>, vector<1x16xf32>,
        %swap3A_1321 = vector.shape_cast %swap3A_1320 : vector<1x16xf32> to vector<16xf32>
        %swap3A_1322 = vector.shape_cast %mul3A_1317 : vector<16xf32> to vector<1x16xf32>
        tpu.vector_store %arg11[%swap3A_1318, %swap3A_1319], %swap3A_1322 {strides = array<i32>} : memref<128x128xf32, #tpu.memory_space<vmem>>, vector<1x16xf32>,
        %get3A_1323 = arith.index_cast %add3A_1309 : i32 to index
        %get3A_1324 = arith.constant 16 : index
        %get3A_1325 = tpu.vector_load %arg11[%get3A_1323, %get3A_1324] {strides = array<i32>} : memref<128x128xf32, #tpu.memory_space<vmem>>, vector<1x16xf32>,
        %get3A_1326 = vector.shape_cast %get3A_1325 : vector<1x16xf32> to vector<16xf32>
        %mul3A_1327 = arith.mulf %get3A_1326, %broadcast_in_dim3A_1312 : vector<16xf32>
        %swap3A_1328 = arith.index_cast %add3A_1309 : i32 to index
        %swap3A_1329 = arith.constant 16 : index
        %swap3A_1330 = tpu.vector_load %arg11[%swap3A_1328, %swap3A_1329] {strides = array<i32>} : memref<128x128xf32, #tpu.memory_space<vmem>>, vector<1x16xf32>,
        %swap3A_1331 = vector.shape_cast %swap3A_1330 : vector<1x16xf32> to vector<16xf32>
        %swap3A_1332 = vector.shape_cast %mul3A_1327 : vector<16xf32> to vector<1x16xf32>
        tpu.vector_store %arg11[%swap3A_1328, %swap3A_1329], %swap3A_1332 {strides = array<i32>} : memref<128x128xf32, #tpu.memory_space<vmem>>, vector<1x16xf32>,
        %get3A_1333 = arith.index_cast %add3A_1309 : i32 to index
        %get3A_1334 = arith.constant 32 : index
        %get3A_1335 = tpu.vector_load %arg11[%get3A_1333, %get3A_1334] {strides = array<i32>} : memref<128x128xf32, #tpu.memory_space<vmem>>, vector<1x16xf32>,
        %get3A_1336 = vector.shape_cast %get3A_1335 : vector<1x16xf32> to vector<16xf32>
        %mul3A_1337 = arith.mulf %get3A_1336, %broadcast_in_dim3A_1312 : vector<16xf32>
        %swap3A_1338 = arith.index_cast %add3A_1309 : i32 to index
        %swap3A_1339 = arith.constant 32 : index
        %swap3A_1340 = tpu.vector_load %arg11[%swap3A_1338, %swap3A_1339] {strides = array<i32>} : memref<128x128xf32, #tpu.memory_space<vmem>>, vector<1x16xf32>,
        %swap3A_1341 = vector.shape_cast %swap3A_1340 : vector<1x16xf32> to vector<16xf32>
        %swap3A_1342 = vector.shape_cast %mul3A_1337 : vector<16xf32> to vector<1x16xf32>
        tpu.vector_store %arg11[%swap3A_1338, %swap3A_1339], %swap3A_1342 {strides = array<i32>} : memref<128x128xf32, #tpu.memory_space<vmem>>, vector<1x16xf32>,
        %get3A_1343 = arith.index_cast %add3A_1309 : i32 to index
        %get3A_1344 = arith.constant 48 : index
        %get3A_1345 = tpu.vector_load %arg11[%get3A_1343, %get3A_1344] {strides = array<i32>} : memref<128x128xf32, #tpu.memory_space<vmem>>, vector<1x16xf32>,
        %get3A_1346 = vector.shape_cast %get3A_1345 : vector<1x16xf32> to vector<16xf32>
        %mul3A_1347 = arith.mulf %get3A_1346, %broadcast_in_dim3A_1312 : vector<16xf32>
        %swap3A_1348 = arith.index_cast %add3A_1309 : i32 to index
        %swap3A_1349 = arith.constant 48 : index
        %swap3A_1350 = tpu.vector_load %arg11[%swap3A_1348, %swap3A_1349] {strides = array<i32>} : memref<128x128xf32, #tpu.memory_space<vmem>>, vector<1x16xf32>,
        %swap3A_1351 = vector.shape_cast %swap3A_1350 : vector<1x16xf32> to vector<16xf32>
        %swap3A_1352 = vector.shape_cast %mul3A_1347 : vector<16xf32> to vector<1x16xf32>
        tpu.vector_store %arg11[%swap3A_1348, %swap3A_1349], %swap3A_1352 {strides = array<i32>} : memref<128x128xf32, #tpu.memory_space<vmem>>, vector<1x16xf32>,
        %get3A_1353 = arith.index_cast %add3A_1309 : i32 to index
        %get3A_1354 = arith.constant 64 : index
        %get3A_1355 = tpu.vector_load %arg11[%get3A_1353, %get3A_1354] {strides = array<i32>} : memref<128x128xf32, #tpu.memory_space<vmem>>, vector<1x16xf32>,
        %get3A_1356 = vector.shape_cast %get3A_1355 : vector<1x16xf32> to vector<16xf32>
        %mul3A_1357 = arith.mulf %get3A_1356, %broadcast_in_dim3A_1312 : vector<16xf32>
        %swap3A_1358 = arith.index_cast %add3A_1309 : i32 to index
        %swap3A_1359 = arith.constant 64 : index
        %swap3A_1360 = tpu.vector_load %arg11[%swap3A_1358, %swap3A_1359] {strides = array<i32>} : memref<128x128xf32, #tpu.memory_space<vmem>>, vector<1x16xf32>,
        %swap3A_1361 = vector.shape_cast %swap3A_1360 : vector<1x16xf32> to vector<16xf32>
        %swap3A_1362 = vector.shape_cast %mul3A_1357 : vector<16xf32> to vector<1x16xf32>
        tpu.vector_store %arg11[%swap3A_1358, %swap3A_1359], %swap3A_1362 {strides = array<i32>} : memref<128x128xf32, #tpu.memory_space<vmem>>, vector<1x16xf32>,
        %get3A_1363 = arith.index_cast %add3A_1309 : i32 to index
        %get3A_1364 = arith.constant 80 : index
        %get3A_1365 = tpu.vector_load %arg11[%get3A_1363, %get3A_1364] {strides = array<i32>} : memref<128x128xf32, #tpu.memory_space<vmem>>, vector<1x16xf32>,
        %get3A_1366 = vector.shape_cast %get3A_1365 : vector<1x16xf32> to vector<16xf32>
        %mul3A_1367 = arith.mulf %get3A_1366, %broadcast_in_dim3A_1312 : vector<16xf32>
        %swap3A_1368 = arith.index_cast %add3A_1309 : i32 to index
        %swap3A_1369 = arith.constant 80 : index
        %swap3A_1370 = tpu.vector_load %arg11[%swap3A_1368, %swap3A_1369] {strides = array<i32>} : memref<128x128xf32, #tpu.memory_space<vmem>>, vector<1x16xf32>,
        %swap3A_1371 = vector.shape_cast %swap3A_1370 : vector<1x16xf32> to vector<16xf32>
        %swap3A_1372 = vector.shape_cast %mul3A_1367 : vector<16xf32> to vector<1x16xf32>
        tpu.vector_store %arg11[%swap3A_1368, %swap3A_1369], %swap3A_1372 {strides = array<i32>} : memref<128x128xf32, #tpu.memory_space<vmem>>, vector<1x16xf32>,
        %get3A_1373 = arith.index_cast %add3A_1309 : i32 to index
        %get3A_1374 = arith.constant 96 : index
        %get3A_1375 = tpu.vector_load %arg11[%get3A_1373, %get3A_1374] {strides = array<i32>} : memref<128x128xf32, #tpu.memory_space<vmem>>, vector<1x16xf32>,
        %get3A_1376 = vector.shape_cast %get3A_1375 : vector<1x16xf32> to vector<16xf32>
        %mul3A_1377 = arith.mulf %get3A_1376, %broadcast_in_dim3A_1312 : vector<16xf32>
        %swap3A_1378 = arith.index_cast %add3A_1309 : i32 to index
        %swap3A_1379 = arith.constant 96 : index
        %swap3A_1380 = tpu.vector_load %arg11[%swap3A_1378, %swap3A_1379] {strides = array<i32>} : memref<128x128xf32, #tpu.memory_space<vmem>>, vector<1x16xf32>,
        %swap3A_1381 = vector.shape_cast %swap3A_1380 : vector<1x16xf32> to vector<16xf32>
        %swap3A_1382 = vector.shape_cast %mul3A_1377 : vector<16xf32> to vector<1x16xf32>
        tpu.vector_store %arg11[%swap3A_1378, %swap3A_1379], %swap3A_1382 {strides = array<i32>} : memref<128x128xf32, #tpu.memory_space<vmem>>, vector<1x16xf32>,
        %get3A_1383 = arith.index_cast %add3A_1309 : i32 to index
        %get3A_1384 = arith.constant 112 : index
        %get3A_1385 = tpu.vector_load %arg11[%get3A_1383, %get3A_1384] {strides = array<i32>} : memref<128x128xf32, #tpu.memory_space<vmem>>, vector<1x16xf32>,
        %get3A_1386 = vector.shape_cast %get3A_1385 : vector<1x16xf32> to vector<16xf32>
        %mul3A_1387 = arith.mulf %get3A_1386, %broadcast_in_dim3A_1312 : vector<16xf32>
        %swap3A_1388 = arith.index_cast %add3A_1309 : i32 to index
        %swap3A_1389 = arith.constant 112 : index
        %swap3A_1390 = tpu.vector_load %arg11[%swap3A_1388, %swap3A_1389] {strides = array<i32>} : memref<128x128xf32, #tpu.memory_space<vmem>>, vector<1x16xf32>,
        %swap3A_1391 = vector.shape_cast %swap3A_1390 : vector<1x16xf32> to vector<16xf32>
        %swap3A_1392 = vector.shape_cast %mul3A_1387 : vector<16xf32> to vector<1x16xf32>
        tpu.vector_store %arg11[%swap3A_1388, %swap3A_1389], %swap3A_1392 {strides = array<i32>} : memref<128x128xf32, #tpu.memory_space<vmem>>, vector<1x16xf32>,
        %scan3A_1393 = arith.constant 0 : i32
        scf.yield %scan3A_1393 : i32
      }
      %scan3A_28 = arith.constant 8 : i32
      "tpu.region"() ({
        %run_scoped3A = tpu.sem_alloc : memref<!tpu.dma_semaphore, #tpu.memory_space<semaphore_mem>>
        %dma_start3A_30 = arith.constant 0 : i32
        %dma_start3A_31 = tpu.memref_slice %arg9[%scan3A_10, %dma_start3A_30] : memref<79x128xi32, #tpu.memory_space<vmem>> -> memref<1x128xi32, #tpu.memory_space<vmem>>
        %dma_start3A_32 = tpu.memref_squeeze %dma_start3A_31 : memref<1x128xi32, #tpu.memory_space<vmem>> -> memref<128xi32, #tpu.memory_space<vmem>>
        %dma_start3A_33 = arith.constant 0 : i32
        %dma_start3A_34 = arith.constant 0 : i32
        %dma_start3A_35 = tpu.memref_slice %arg12[%dma_start3A_33, %dma_start3A_34] : memref<10240x128xf32, #tpu.memory_space<vmem_shared>> -> memref<10240x128xf32, #tpu.memory_space<vmem_shared>>
        tpu.enqueue_indirect_dma source(%arg11 : memref<128x128xf32, #tpu.memory_space<vmem>>) target(%dma_start3A_35 : memref<10240x128xf32, #tpu.memory_space<vmem_shared>>) offsets(%dma_start3A_32 : memref<128xi32, #tpu.memory_space<vmem>>) semaphore(%run_scoped3A : memref<!tpu.dma_semaphore, #tpu.memory_space<semaphore_mem>>) {add = true}
        %dma_wait3A_36 = arith.constant 0 : i32
        %dma_wait3A_37 = tpu.memref_slice %arg9[%scan3A_10, %dma_wait3A_36] : memref<79x128xi32, #tpu.memory_space<vmem>> -> memref<1x128xi32, #tpu.memory_space<vmem>>
        %dma_wait3A_38 = tpu.memref_squeeze %dma_wait3A_37 : memref<1x128xi32, #tpu.memory_space<vmem>> -> memref<128xi32, #tpu.memory_space<vmem>>
        %dma_wait3A_39 = arith.constant 0 : i32
        %dma_wait3A_40 = arith.constant 0 : i32
        %dma_wait3A_41 = tpu.memref_slice %arg12[%dma_wait3A_39, %dma_wait3A_40] : memref<10240x128xf32, #tpu.memory_space<vmem_shared>> -> memref<10240x128xf32, #tpu.memory_space<vmem_shared>>
        tpu.wait_indirect_dma semaphore(%run_scoped3A : memref<!tpu.dma_semaphore, #tpu.memory_space<semaphore_mem>>) src(%arg11 : memref<128x128xf32, #tpu.memory_space<vmem>>) dst(%dma_wait3A_41 : memref<10240x128xf32, #tpu.memory_space<vmem_shared>>)
        tpu.yield
      }) : () -> ()
      %scan3A_29 = arith.constant 0 : i32
      scf.yield %scan3A_29 : i32
    }
    %scan3A_8 = arith.constant 79 : i32
    %barrier3A_9 = arith.constant 0 : index
    tpu.barrier barrier_id(%barrier3A_9)
    "tpu.region"() ({
      %run_scoped3A = tpu.sem_alloc : memref<!tpu.dma_semaphore, #tpu.memory_space<semaphore_mem>>
      %dma_start3A = arith.constant 0 : i32
      %dma_start3A_10 = tpu.memref_slice %arg7[%arg0, %mul3A_2, %dma_start3A] : memref<2x10240x128xf32, #tpu.memory_space<hbm>> -> memref<1x640x128xf32, #tpu.memory_space<hbm>>
      %dma_start3A_11 = tpu.memref_squeeze %dma_start3A_10 : memref<1x640x128xf32, #tpu.memory_space<hbm>> -> memref<640x128xf32, #tpu.memory_space<hbm>>
      %dma_start3A_12 = arith.constant 0 : i32
      %dma_start3A_13 = tpu.memref_slice %arg12[%mul3A_2, %dma_start3A_12] : memref<10240x128xf32, #tpu.memory_space<vmem_shared>> -> memref<640x128xf32, #tpu.memory_space<vmem_shared>>
      tpu.enqueue_dma source(%dma_start3A_13 : memref<640x128xf32, #tpu.memory_space<vmem_shared>>) target(%dma_start3A_11 : memref<640x128xf32, #tpu.memory_space<hbm>>) target_semaphore(%run_scoped3A : memref<!tpu.dma_semaphore, #tpu.memory_space<semaphore_mem>>)
      %dma_wait3A = arith.constant 0 : i32
      %dma_wait3A_14 = tpu.memref_slice %arg7[%arg0, %mul3A_2, %dma_wait3A] : memref<2x10240x128xf32, #tpu.memory_space<hbm>> -> memref<1x640x128xf32, #tpu.memory_space<hbm>>
      %dma_wait3A_15 = tpu.memref_squeeze %dma_wait3A_14 : memref<1x640x128xf32, #tpu.memory_space<hbm>> -> memref<640x128xf32, #tpu.memory_space<hbm>>
      %dma_wait3A_16 = arith.constant 0 : i32
      %dma_wait3A_17 = tpu.memref_slice %arg12[%mul3A_2, %dma_wait3A_16] : memref<10240x128xf32, #tpu.memory_space<vmem_shared>> -> memref<640x128xf32, #tpu.memory_space<vmem_shared>>
      tpu.wait_dma2 semaphore(%run_scoped3A : memref<!tpu.dma_semaphore, #tpu.memory_space<semaphore_mem>>) src(%dma_wait3A_17 : memref<640x128xf32, #tpu.memory_space<vmem_shared>>) dst(%dma_wait3A_15 : memref<640x128xf32, #tpu.memory_space<hbm>>)
      tpu.yield
    }) : () -> ()
    return
  }
}

module attributes {stable_mosaic.version = 14 : i64} {
  func.func @_tc_linear_body(%arg0: i32, %arg1: memref<2x2000x128xf32, #tpu.memory_space<vmem>>, %arg2: memref<128x128xf32, #tpu.memory_space<vmem>>, %arg3: memref<1x128xf32, #tpu.memory_space<vmem>>, %arg4: memref<2000x128xf32, #tpu.memory_space<vmem>>) attributes {dimension_semantics = [#tpu.dimension_semantics<arbitrary>], iteration_bounds = array<i64: 5>, scalar_prefetch = 0 : i64, scratch_operands = 0 : i64, tpu.core_type = #tpu.core_type<tc>, window_params = [{transform_indices = @transform_0, window_bounds = array<i64: 2, 2000, 128>}, {pipeline_mode = #tpu.pipeline_mode<synchronous>, transform_indices = @transform_1, window_bounds = array<i64: 128, 128>}, {pipeline_mode = #tpu.pipeline_mode<synchronous>, transform_indices = @transform_2, window_bounds = array<i64: 1, 128>}, {transform_indices = @transform_3, window_bounds = array<i64: 2000, 128>}]} {
    %get3A = arith.constant 0 : index
    %get3A_0 = arith.constant 0 : index
    %get3A_1 = arith.constant 0 : index
    %get3A_2 = vector.load %arg1[%get3A, %get3A_0, %get3A_1] : memref<2x2000x128xf32, #tpu.memory_space<vmem>>, vector<1x2000x128xf32>
    %get3A_3 = vector.shape_cast %get3A_2 : vector<1x2000x128xf32> to vector<2000x128xf32>
    %get3A_4 = arith.constant 1 : index
    %get3A_5 = arith.constant 0 : index
    %get3A_6 = arith.constant 0 : index
    %get3A_7 = vector.load %arg1[%get3A_4, %get3A_5, %get3A_6] : memref<2x2000x128xf32, #tpu.memory_space<vmem>>, vector<1x2000x128xf32>
    %get3A_8 = vector.shape_cast %get3A_7 : vector<1x2000x128xf32> to vector<2000x128xf32>
    %add3A = arith.addf %get3A_3, %get3A_8 : vector<2000x128xf32>
    %get3A_9 = arith.constant 0 : index
    %get3A_10 = arith.constant 0 : index
    %get3A_11 = vector.load %arg2[%get3A_9, %get3A_10] : memref<128x128xf32, #tpu.memory_space<vmem>>, vector<128x128xf32>
    %dot_general3A = arith.constant dense<0.000000e+00> : vector<2000x128xf32>
    %dot_general3A_12 = tpu.matmul %add3A, %get3A_11, %dot_general3A {dimension_numbers = #tpu.dot_dimension_numbers<[1], [0], [0], [1], [0, 0, 1, 1], [], []>, precision = #tpu.contract_precision<fp32>, transpose_lhs_hint = false} : vector<2000x128xf32>, vector<128x128xf32>, vector<2000x128xf32> -> vector<2000x128xf32>
    %get3A_13 = arith.constant 0 : index
    %get3A_14 = arith.constant 0 : index
    %get3A_15 = vector.load %arg3[%get3A_13, %get3A_14] : memref<1x128xf32, #tpu.memory_space<vmem>>, vector<1x128xf32>
    %add3A_16 = vector.broadcast %get3A_15 : vector<1x128xf32> to vector<2000x128xf32>
    %add3A_17 = arith.addf %dot_general3A_12, %add3A_16 : vector<2000x128xf32>
    %swap3A = arith.constant 0 : index
    %swap3A_18 = arith.constant 0 : index
    %swap3A_19 = vector.load %arg4[%swap3A, %swap3A_18] : memref<2000x128xf32, #tpu.memory_space<vmem>>, vector<2000x128xf32>
    tpu.vector_store %arg4[%swap3A, %swap3A_18], %add3A_17 {strides = array<i32>} : memref<2000x128xf32, #tpu.memory_space<vmem>>, vector<2000x128xf32>,
    return
  }
  func.func @transform_0(%arg0: i32) -> (i32, i32, i32) {
    %c0_i32 = arith.constant 0 : i32
    %c0_i32_0 = arith.constant 0 : i32
    %c0_i32_1 = arith.constant 0 : i32
    return %c0_i32, %arg0, %c0_i32_0 : i32, i32, i32
  }
  func.func @transform_1(%arg0: i32) -> (i32, i32) {
    %c0_i32 = arith.constant 0 : i32
    %c0_i32_0 = arith.constant 0 : i32
    %c0_i32_1 = arith.constant 0 : i32
    return %c0_i32, %c0_i32_0 : i32, i32
  }
  func.func @transform_2(%arg0: i32) -> (i32, i32) {
    %c0_i32 = arith.constant 0 : i32
    %c0_i32_0 = arith.constant 0 : i32
    %c0_i32_1 = arith.constant 0 : i32
    return %c0_i32, %c0_i32_0 : i32, i32
  }
  func.func @transform_3(%arg0: i32) -> (i32, i32) {
    %c0_i32 = arith.constant 0 : i32
    %c0_i32_0 = arith.constant 0 : i32
    return %arg0, %c0_i32 : i32, i32
  }
}

</mosaic_0001>

<sc_bundles>
// kernel: kernel.4.cloned.1.call-start
scs
__scs_entry_jumppad:
0x0: {  	(pc) =	sbr.rel $0x88, $3  }
0x1: {  	(tag) =	ssettag $0x0;
	lr =	simm.s32 $0x1  }
0x2: {  	[smem:$0x3F9C] =	sst lr;
	_ =	strace $0xD0000000  }
0x3: {  	_ = 	snop  }
0x4: {  	_ = 	snop  }
0x5: {  	_ = 	snop  }
0x6: {  	_ = 	snop  }
0x7: {  	_ = 	snop  }
__scs_overlays_trampoline_lowered:
0x8: {  	[smem:$0x3FAB] =	sst s0  }
0x9: {  	[smem:$0x3FAC] =	sst s1  }
0xa: {  	[smem:$0x3FAD] =	sst s2  }
0xb: {  	[smem:$0x3FAE] =	sst s3  }
0xc: {  	[smem:$0x3FAF] =	sst s4  }
0xd: {  	[smem:$0x3FB0] =	sst s5  }
0xe: {  	[smem:$0x3FB1] =	sst s6  }
0xf: {  	[smem:$0x3FB2] =	sst s7  }
0x10: {  	[smem:$0x3FB3] =	sst s8  }
0x11: {  	[smem:$0x3FB4] =	sst s9;
	s0 =	simm.s32 @!p0 $0x0  }
0x12: {  	s1 =	sld [smem:$0x3F9A];
	s0 =	simm.s32 @p0 $0x1  }
0x13: {  	[smem:$0x3FB5] =	sst s0;
	s0 =	simm.s32 @!p1 $0x0  }
0x14: {  	s2 =	sld [smem:$0x3F99];
	s0 =	simm.s32 @p1 $0x1  }
0x15: {  	[smem:$0x3FB6] =	sst s0;
	s0 =	simm.s32 @!p2 $0x0  }
0x16: {  	s3 =	sld [smem:$0x3FDB];
	s0 =	simm.s32 @p2 $0x1  }
0x17: {  	s4 =	simm.s32 $0x1BF5;
	[smem:$0x3FB8] =	sst s0  }
0x18: {  	s0 =	sld [smem:$0x3F9B];
	_ =	swait.ge [sflag:s4], $0x0  }
0x19: {  	s7 =	sld [smem:$0x3F9C]  }
0x1a: {  	s8 =	sadd.s32 $0xFFFFE003, lr  }
0x1b: {  	s9 =	sadd.s32 $0xFFFFFEF7, lr;
	s5 =	simm.s32 $0xFFFFFFFF;
	p2 =	slt.u32 s8, $0xFFFFF086  }
0x1c: {  	p1 =	slt.u32 s9, $0xF7A;
	s5 =	simm.s32 @!p2 $0x0  }
0x1d: {  	s5 =	simm.s32 @p1 $0x1;
	p0 =	seq.s32 s7, s2  }
0x1e: {  	s7 =	smul.u32 @!p0 $0xF7A, s2;
	p2 =	seq.s32 @!p0 s5, $0x0  }
0x1f: {  	s9 =	smul.u32 $0xF7A, s1;
	s8 =	simm.s32 @!p0 $0x1BF5;
	p2 =	por !p2, p0  }
0x20: {  	[sflag:s8] =	ssyncset.s32 @!p0 $0xFFFFF086;
	s6 =	sadd.s32 @!p0 s3, s7;
	s7 =	simm.s32 @!p0 $0x108  }
0x21: {  	s3 =	sadd.s32 s3, s9;
	s6 =	sadd.s32 @!p0 $0x88, s6;
	s7 =	simm.s32 @p2 $0x1082  }
0x22: {  	[simem:s7], [sflag:s8] =	dma.local @!p0 [hbm:s6], $0xF7A  }
0x23: {  	s9 =	sor.u32 $0xD0000000, s2;
	s6 =	simm.s32 $0x108;
	_ =	swait.ge @!p0 [sflag:s8], $0x0  }
0x24: {  	s3 =	sadd.s32 $0x88, s3;
	s6 =	simm.s32 @!p1 $0x1082;
	[sflag:s4] =	ssyncset.s32 $0xFFFFF086  }
0x25: {  	[simem:s6], [sflag:s4] =	dma.local [hbm:s3], $0xF7A  }
0x26: {  	[smem:$0x3F9C] =	sst s1;
	(tag) =	ssettag s2;
	_ =	strace s9  }
0x27: {  	s1 =	sld [smem:$0x3FAC]  }
0x28: {  	s2 =	sld [smem:$0x3FAD]  }
0x29: {  	s4 =	sld [smem:$0x3FAF]  }
0x2a: {  	p0 =	seq.s32 s5, $0x0;
	s5 =	sld [smem:$0x3FB0]  }
0x2b: {  	s6 =	sld [smem:$0x3FB1]  }
0x2c: {  	s7 =	sld [smem:$0x3FB2]  }
0x2d: {  	s3 =	simm.s32 $0x108;
	s8 =	sld [smem:$0x3FB3]  }
0x2e: {  	s3 =	simm.s32 @!p0 $0x1082;
	s9 =	sld [smem:$0x3FB4]  }
0x2f: {  	lr =	sadd.s32 s0, s3;
	s0 =	sld [smem:$0x3FAB]  }
0x30: {  	s3 =	sld [smem:$0x3FAE]  }
0x31: {  	[smem:$0x3FB7] =	sst s10  }
0x32: {  	s10 =	sld [smem:$0x3FB5];
	_ =	sdelay $0x3  }
0x33: {  	p0 =	seq.s32 s10, $0x1;
	s10 =	sld [smem:$0x3FB7];
	_ =	sdelay $0x3  }
0x34: {  	[smem:$0x3FB7] =	sst s10  }
0x35: {  	s10 =	sld [smem:$0x3FB6];
	_ =	sdelay $0x3  }
0x36: {  	p1 =	seq.s32 s10, $0x1;
	s10 =	sld [smem:$0x3FB7];
	_ =	sdelay $0x3  }
0x37: {  	[smem:$0x3FB7] =	sst s10  }
0x38: {  	s10 =	sld [smem:$0x3FB8]  }
0x39: {  	_ = 	snop;
	(pc) =	sbr.ind lr, $3  }
0x3a: {  	_ = 	snop  }
0x3b: {  	_ = 	snop  }
0x3c: {  	p2 =	seq.s32 s10, $0x1;
	s10 =	sld [smem:$0x3FB7]  }
0x3d: {  	_ =	shalt  }
0x3e: {  	_ =	shalt  }
0x3f: {  	_ =	shalt  }
0x40: {  	_ =	shalt  }
0x41: {  	_ =	shalt  }
0x42: {  	_ =	shalt  }
0x43: {  	_ =	shalt  }
0x44: {  	_ =	shalt  }
0x45: {  	_ =	shalt  }
0x46: {  	_ =	shalt  }
0x47: {  	_ =	shalt  }
0x48: {  	_ =	shalt  }
0x49: {  	_ =	shalt  }
0x4a: {  	_ =	shalt  }
0x4b: {  	_ =	shalt  }
0x4c: {  	_ =	shalt  }
0x4d: {  	_ =	shalt  }
0x4e: {  	_ =	shalt  }
0x4f: {  	_ =	shalt  }
0x50: {  	_ =	shalt  }
0x51: {  	_ =	shalt  }
0x52: {  	_ =	shalt  }
0x53: {  	_ =	shalt  }
0x54: {  	_ =	shalt  }
0x55: {  	_ =	shalt  }
0x56: {  	_ =	shalt  }
0x57: {  	_ =	shalt  }
0x58: {  	_ =	shalt  }
0x59: {  	_ =	shalt  }
0x5a: {  	_ =	shalt  }
0x5b: {  	_ =	shalt  }
0x5c: {  	_ =	shalt  }
0x5d: {  	_ =	shalt  }
0x5e: {  	_ =	shalt  }
0x5f: {  	_ =	shalt  }
0x60: {  	_ =	shalt  }
0x61: {  	_ =	shalt  }
0x62: {  	_ =	shalt  }
0x63: {  	_ =	shalt  }
0x64: {  	_ =	shalt  }
0x65: {  	_ =	shalt  }
0x66: {  	_ =	shalt  }
0x67: {  	_ =	shalt  }
0x68: {  	_ =	shalt  }
0x69: {  	_ =	shalt  }
0x6a: {  	_ =	shalt  }
0x6b: {  	_ =	shalt  }
0x6c: {  	_ =	shalt  }
0x6d: {  	_ =	shalt  }
0x6e: {  	_ =	shalt  }
0x6f: {  	_ =	shalt  }
0x70: {  	_ =	shalt  }
0x71: {  	_ =	shalt  }
0x72: {  	_ =	shalt  }
0x73: {  	_ =	shalt  }
0x74: {  	_ =	shalt  }
0x75: {  	_ =	shalt  }
0x76: {  	_ =	shalt  }
0x77: {  	_ =	shalt  }
0x78: {  	_ =	shalt  }
0x79: {  	_ =	shalt  }
0x7a: {  	_ =	shalt  }
0x7b: {  	_ =	shalt  }
0x7c: {  	_ =	shalt  }
0x7d: {  	_ =	shalt  }
0x7e: {  	_ =	shalt  }
0x7f: {  	_ =	shalt  }
0x80: {  	_ =	shalt  }
0x81: {  	_ =	shalt  }
0x82: {  	_ =	shalt  }
0x83: {  	_ =	shalt  }
0x84: {  	_ =	shalt  }
0x85: {  	_ =	shalt  }
0x86: {  	_ =	shalt  }
0x87: {  	_ =	shalt  }
.Lfunc_end0:
.L_simem_size_0:
called_computation_lowered:
.L_overlay_start_0:
0x88: {  	s2 =	sld [smem:$0x3FD9]  }
0x89: {  	s3 =	sld [smem:$0x3FFE];
	_ =	sdelay $0x1  }
0x8a: {  	s1 =	srdreg.scid  }
0x8b: {  	s0 =	sand.u32 $0x1, s1  }
0x8c: {  	s17 =	sshll.u32 s0, $0xA;
	s2 =	sadd.s32 s3, s2  }
0x8d: {  	s2 =	sadd.s32 s2, s17  }
0x8e: {  	[smem:$0x3FC3] =	sst s2  }
0x8f: {  	_ = 	snop  }
0x90: {  	s2 =	sld [smem:$0x3FC9]  }
0x91: {  	s18 =	sld [smem:$0x3FD0];
	(tm) =	ssettm $0x1  }
0x92: {  	s4 =	sld [smem:$0x3FFB];
	_ =	sdelay $0x3  }
0x93: {  	_ =	strace s4  }
0x94: {  	s4 =	sld [smem:$0x3FFC];
	_ =	sdelay $0x3  }
0x95: {  	_ =	strace s4  }
0x96: {  	s4 =	sld [smem:$0x3FFD];
	_ =	sdelay $0x3  }
0x97: {  	_ =	strace s4  }
0x98: {  	_ =	strace $0x8FFFFFFF  }
0x99: {  	s19 =	sld [smem:$0x3FDB];
	_ =	sdelay $0x1  }
0x9a: {  	s5 =	simm.s32 $_scs_section_size  }
0x9b: {  	s6 =	simm.s32 $_size__tile_overlayer_lowered;
	s7 =	simm.s32 $_tile_overlayer_lowered  }
0x9c: {  	s22 =	simm.s32 $0x1BFF;
	s21 =	sshll.u32 s7, $0x1;
	s4 =	sadd.s32 s5, s19  }
0x9d: {  	s8 =	simm.s32 $0x0;
	s20 =	sshll.u32 s6, $0x1;
	s6 =	sadd.s32 s21, s4  }
0x9e: {  	[timem:s8], [sflag:s22] =	dma.local [hbm:s6], s20  }
0x9f: {  	_ =	swait.ge [sflag:s22], s20  }
0xa0: {  	s5 =	ssub.s32 $0x0, s20;
	[sflag:s22] =	ssyncset.done $0x0  }
0xa1: {  	[sflag:s22] =	ssyncadd.s32 s5;
	_ =	sdelay $0x1  }
0xa2: {  	s23 =	simm.s32 $0x1B8B  }
0xa3: {  	_ =	swait.ge [sflag:s23], $0x1  }
0xa4: {  	[sflag:s23] =	ssyncset.done $0x0  }
0xa5: {  	s25 =	simm.s32 $0x1B8E;
	s24 =	sld [smem:$0x3FFE];
	[sflag:s23] =	ssyncadd.s32 $0xFFFFFFFF  }
0xa6: {  	s26 =	simm.s32 $execute0_lowered;
	[smem:$0x3FD2] =	sst s25  }
0xa7: {  	s6 =	sshll.u32 s26, $0x1;
	_ =	strace $0x80000046;
	[dreg:$0x1] =	wrdreg $0xFFFFFFFF  }
0xa8: {  	s28 =	simm.s32 $_size_execute0_lowered;
	s4 =	sadd.s32 s4, s6;
	[dreg:$0x0] =	wrdreg $0x0  }
0xa9: {  	s6 =	sshll.u32 s28, $0x1;
	[dreg:$0x2] =	wrdreg s4  }
0xaa: {  	[dreg:$0x3] =	wrdreg s6  }
0xab: {  	[dreg:$0x4] =	wrdreg $0xC0  }
0xac: {  	_ =	task [dreg:s8], $0x5FFFF  }
0xad: {  	[dreg:$0x1] =	wrdreg $0xFFFFFFFF  }
0xae: {  	[dreg:$0x0] =	wrdreg $0x60  }
0xaf: {  	[dreg:$0x2] =	wrdreg s2  }
0xb0: {  	[dreg:$0x3] =	wrdreg s18  }
0xb1: {  	[dreg:$0x4] =	wrdreg s24  }
0xb2: {  	[dreg:$0x5] =	wrdreg $0xB8000  }
0xb3: {  	[dreg:$0x6] =	wrdreg $0x9  }
0xb4: {  	_ =	task.clear_ibuf [dreg:s8], $0x7FFFF;
	_ =	strace $0x90000046  }
0xb5: {  	s29 =	simm.s32 $0x9;
	_ =	strace $0x80000048  }
0xb6: {  	_ =	swait.ge [sflag:s29], $0x1  }
0xb7: {  	[sflag:s29] =	ssyncadd.s32 $0xFFFFFFFF  }
0xb8: {  	_ =	strace $0x90000048  }
0xb9: {  	_ =	sfence  }
0xba: {  	s30 =	sld [smem:$0x0];
	_ =	sdelay $0x2  }
0xbb: {  	s31 =	sshll.u32 s1, $0xD;
	s1 =	sshrl.u32 s1, $0x2  }
0xbc: {  	s3 =	sand.u32 $0x4000, s31;
	s1 =	sadd.s32 s1, s30  }
0xbd: {  	s0 =	sor.u32 s3, s0;
	s1 =	sshll.u32 s1, $0x11  }
0xbe: {  	s0 =	sor.u32 s1, s0  }
0xbf: {  	s0 =	sadd.s32 $0x8F2B, s0  }
0xc0: {  	[sflag:s0] =	ssyncadd.remote.s32 $0x1  }
0xc1: {  	_ =	sfence.sel $0xFFFF  }
0xc2: {  	[dreg:$0x0] =	wrdreg $0xFFFFFFFF;
	(pc) =	sbr.abs _section_cstart, $3  }
0xc3: {  	[dreg:$0x1] =	wrdreg $0xFFFFFFFF  }
0xc4: {  	_ =	task.clear_ibuf [dreg:s8], $0x2FFFF;
	_ =	strace $0x9FFFFFFF  }
0xc5: {  	(tm) =	ssettm $0x7FFFFFFF  }
tec
execute0_lowered:
.L_overlay_start_1:
0x0: {  	(tag) =	ssettag $0x1  }
0x1: {  	s1 =	rddreg [dreg:$0x0]  }
0x2: {  	s2 =	srdreg.scid;
	s7 =	rddreg [dreg:$0x1]  }
0x3: {  	s0 =	stileid.u32;
	s6 =	rddreg [dreg:$0x2]  }
0x4: {  	s3 =	rddreg [dreg:$0x3];
	s4 =	simm.s32 $0x0;
	s16 =	simm.s32 $0x80  }
0x5: {  	s17 =	simm.s32 $0x7800;
	s18 =	simm.s32 $0x1;
	s19 =	simm.s32 $0x0  }
0x6: {  	s5 =	sand.u32 $0x1, s2;
	s26 =	sshll.u32 s0, $0x1;
	s9 =	smul.u32 $0x14000, s0  }
0x7: {  	[smem:$0x7FF] =	sst s4;
	s28 =	smul.u32 $0x50000, s0;
	s31 =	sshll.u32 s0, $0x6  }
0x8: {  	s2 =	sor.u32 s5, s26;
	s10 =	smul.u32 $0x140000, s5;
	s5 =	ssub.s32 $0x2, s5  }
0x9: {  	s8 =	smul.u32 $0x500, s2;
	s2 =	rddreg [dreg:$0x4];
	_ =	strace $0x80000047  }
0xa: {  	s12 =	sshrl.u32 s9, $0x3;
	s29 =	sshrl.u32 s5, $0x1;
	s30 =	sshrl.u32 s28, $0x2  }
0xb: {  	s9 =	sadd.s32 s9, s10;
	s12 =	sadd.s32 s12, s6;
	s14 =	ssub.s32 s5, s29  }
0xc: {  	s15 =	sadd.s32 s30, s3;
	s11 =	sadd.s32 s8, s6;
	s9 =	sshrl.u32 s9, $0x3  }
0xd: {  	s5 =	sadd.s32 $0x14400, s12;
	s7 =	sadd.s32 s7, s8;
	s12 =	sshrl.u32 s15, $0x3  }
0xe: {  	s15 =	simm.s32 $0x5000;
	s13 =	sadd.s32 s9, s6;
	s6 =	sor.u32 $0x1C02, s31  }
0xf: {  	s8 =	sadd.s32 $0x400, s11;
	s9 =	sadd.s32 $0xA400, s11;
	s11 =	smax.u32 s14, $0x1  }
0x10: {  	s14 =	simm.s32 $0x2800;
	s10 =	sadd.s32 $0x3C400, s13;
	s13 =	simm.s32 $0x2  }
.LBB2_1:
0x11: {  	[spmem:s12], [sflag:s6] =	dma.local [hbm:s5], $0x2800  }
0x12: {  	_ =	swait.ge [sflag:s13], $0x2800  }
0x13: {  	[sflag:s13] =	ssyncset.done $0x0  }
0x14: {  	[sflag:s13] =	ssyncadd.s32 $0xFFFFD800  }
0x15: {  	[tilespmem:s4], [sflag:$0x2] =	stream.linear.gather [hbm4b:s7+s4], $0x2780, $0x38;
	[tilespmem:$0x1F800] =	vst v63  }
0x16: {  	_ =	swait.ge [sflag:s13], $0x2780  }
0x17: {  	[sflag:s13] =	ssyncset.done $0x0  }
0x18: {  	[sflag:s13] =	ssyncadd.s32 $0xFFFFD880  }
0x19: {  	[tilespmem:s14], [sflag:$0x2] =	stream.linear.gather [hbm4b:s8+s4], $0x2780, $0x38;
	[tilespmem:$0x1F800] =	vst v63  }
0x1a: {  	_ =	swait.ge [sflag:s13], $0x2780  }
0x1b: {  	[sflag:s13] =	ssyncset.done $0x0  }
0x1c: {  	[sflag:s13] =	ssyncadd.s32 $0xFFFFD880  }
0x1d: {  	[tilespmem:s15], [sflag:$0x2] =	stream.linear.gather [hbm4b:s9+s4], $0x2780, $0x38;
	[tilespmem:$0x1F800] =	vst v63  }
0x1e: {  	_ =	swait.ge [sflag:s13], $0x2780  }
0x1f: {  	[sflag:s13] =	ssyncset.done $0x0  }
0x20: {  	[sflag:s13] =	ssyncadd.s32 $0xFFFFD880  }
0x21: {  	s20 =	simm.s32 $0x0;
	[bflag:$0x0] =	sbarrier.arrive $0xFFFF  }
.LBB2_2:
0x22: {  	s21 =	sshll.u32 s20, $0x7  }
0x23: {  	[tilespmem:s17], [sflag:$0x1] =	stream.indirect.gather [hbm4b:s1+s16], $0x80, s21, s16, $0xb8;
	[tilespmem:$0x1F800] =	vst v63  }
0x24: {  	s23 =	sadd.s32 $0x5000, s21  }
0x25: {  	_ =	swait.ge [sflag:s18], $0x4000;
	v0 =	vmov s23  }
0x26: {  	[sflag:s18] =	ssyncset.done $0x0  }
0x27: {  	s22 =	simm.s32 $0x0;
	[sflag:s18] =	ssyncadd.s32 $0xFFFFC000  }
.LBB2_3:
0x28: {  	s23 =	sshll.u32 s22, $0x4  }
0x29: {  	s23 =	sand.u32 $0x3FFFFFF0, s23  }
0x2a: {  	s31 =	sshll.u32 s22, $0xB;
	v1 =	vld.idx.msk [tilespmem:v0+s23+$0x0 ss:$0x1], $0xffff  }
0x2b: {  	s23 =	sand.u32 $0x3FFFF800, s31  }
0x2c: {  	v2 =	vld [tilespmem:s23+$0x7800]  }
0x2d: {  	v3 =	vld [tilespmem:s23+$0x7810]  }
0x2e: {  	v4 =	vld [tilespmem:s23+$0x7820]  }
0x2f: {  	v6 =	vld [tilespmem:s23+$0x7830];
	v5 =	vbroadcast v1, $0x0  }
0x30: {  	v7 =	vld [tilespmem:s23+$0x7840]  }
0x31: {  	v8 =	vld [tilespmem:s23+$0x7850];
	v2 =	vmul.f32 v5, v2  }
0x32: {  	v9 =	vld [tilespmem:s23+$0x7860];
	v3 =	vmul.f32 v3, v5  }
0x33: {  	v34 =	vld [tilespmem:s23+$0x7870];
	[tilespmem:s23+$0x7800] =	vst v2;
	v2 =	vmul.f32 v4, v5  }
0x34: {  	v35 =	vld [tilespmem:s23+$0x7880];
	[tilespmem:s23+$0x7810] =	vst v3;
	v3 =	vmul.f32 v6, v5  }
0x35: {  	v36 =	vld [tilespmem:s23+$0x7890];
	[tilespmem:s23+$0x7820] =	vst v2;
	v2 =	vmul.f32 v7, v5  }
0x36: {  	v37 =	vld [tilespmem:s23+$0x78A0];
	[tilespmem:s23+$0x7830] =	vst v3;
	v3 =	vmul.f32 v8, v5  }
0x37: {  	v10 =	vld [tilespmem:s23+$0x78B0];
	v38 =	vbroadcast v1, $0x1;
	[tilespmem:s23+$0x7840] =	vst v2;
	v2 =	vmul.f32 v9, v5  }
0x38: {  	v39 =	vld [tilespmem:s23+$0x78C0];
	[tilespmem:s23+$0x7850] =	vst v3;
	v3 =	vmul.f32 v34, v5  }
0x39: {  	v40 =	vld [tilespmem:s23+$0x78D0];
	[tilespmem:s23+$0x7860] =	vst v2;
	v2 =	vmul.f32 v35, v38  }
0x3a: {  	v41 =	vld [tilespmem:s23+$0x78E0];
	[tilespmem:s23+$0x7870] =	vst v3;
	v3 =	vmul.f32 v36, v38  }
0x3b: {  	v42 =	vld [tilespmem:s23+$0x78F0];
	[tilespmem:s23+$0x7880] =	vst v2;
	v2 =	vmul.f32 v37, v38  }
0x3c: {  	v43 =	vld [tilespmem:s23+$0x7900];
	[tilespmem:s23+$0x7890] =	vst v3;
	v3 =	vmul.f32 v10, v38  }
0x3d: {  	v44 =	vld [tilespmem:s23+$0x7910];
	[tilespmem:s23+$0x78A0] =	vst v2;
	v2 =	vmul.f32 v39, v38  }
0x3e: {  	v45 =	vld [tilespmem:s23+$0x7920];
	[tilespmem:s23+$0x78B0] =	vst v3;
	v3 =	vmul.f32 v40, v38  }
0x3f: {  	v47 =	vld [tilespmem:s23+$0x7930];
	v46 =	vbroadcast v1, $0x2;
	[tilespmem:s23+$0x78C0] =	vst v2;
	v2 =	vmul.f32 v41, v38  }
0x40: {  	v48 =	vld [tilespmem:s23+$0x7940];
	[tilespmem:s23+$0x78D0] =	vst v3;
	v3 =	vmul.f32 v42, v38  }
0x41: {  	v49 =	vld [tilespmem:s23+$0x7950];
	[tilespmem:s23+$0x78E0] =	vst v2;
	v2 =	vmul.f32 v43, v46  }
0x42: {  	v50 =	vld [tilespmem:s23+$0x7960];
	[tilespmem:s23+$0x78F0] =	vst v3;
	v3 =	vmul.f32 v44, v46  }
0x43: {  	v51 =	vld [tilespmem:s23+$0x7970];
	[tilespmem:s23+$0x7900] =	vst v2;
	v2 =	vmul.f32 v45, v46  }
0x44: {  	v52 =	vld [tilespmem:s23+$0x7980];
	[tilespmem:s23+$0x7910] =	vst v3;
	v3 =	vmul.f32 v47, v46  }
0x45: {  	v53 =	vld [tilespmem:s23+$0x7990];
	[tilespmem:s23+$0x7920] =	vst v2;
	v2 =	vmul.f32 v48, v46  }
0x46: {  	v54 =	vld [tilespmem:s23+$0x79A0];
	[tilespmem:s23+$0x7930] =	vst v3;
	v3 =	vmul.f32 v49, v46  }
0x47: {  	v56 =	vld [tilespmem:s23+$0x79B0];
	v55 =	vbroadcast v1, $0x3;
	[tilespmem:s23+$0x7940] =	vst v2;
	v2 =	vmul.f32 v50, v46  }
0x48: {  	v57 =	vld [tilespmem:s23+$0x79C0];
	[tilespmem:s23+$0x7950] =	vst v3;
	v3 =	vmul.f32 v51, v46  }
0x49: {  	v58 =	vld [tilespmem:s23+$0x79D0];
	[tilespmem:s23+$0x7960] =	vst v2;
	v2 =	vmul.f32 v52, v55  }
0x4a: {  	v59 =	vld [tilespmem:s23+$0x79E0];
	[tilespmem:s23+$0x7970] =	vst v3;
	v3 =	vmul.f32 v53, v55  }
0x4b: {  	v60 =	vld [tilespmem:s23+$0x79F0];
	[tilespmem:s23+$0x7980] =	vst v2;
	v2 =	vmul.f32 v54, v55  }
0x4c: {  	v61 =	vld [tilespmem:s23+$0x7A00];
	[tilespmem:s23+$0x7990] =	vst v3;
	v3 =	vmul.f32 v56, v55  }
0x4d: {  	v62 =	vld [tilespmem:s23+$0x7A10];
	[tilespmem:s23+$0x79A0] =	vst v2;
	v2 =	vmul.f32 v57, v55  }
0x4e: {  	v63 =	vld [tilespmem:s23+$0x7A20];
	[tilespmem:s23+$0x79B0] =	vst v3;
	v3 =	vmul.f32 v58, v55  }
0x4f: {  	v13 =	vld [tilespmem:s23+$0x7A30];
	v12 =	vbroadcast v1, $0x4;
	[tilespmem:s23+$0x79C0] =	vst v2;
	v2 =	vmul.f32 v59, v55  }
0x50: {  	v14 =	vld [tilespmem:s23+$0x7A40];
	[tilespmem:s23+$0x79D0] =	vst v3;
	v3 =	vmul.f32 v60, v55  }
0x51: {  	v15 =	vld [tilespmem:s23+$0x7A50];
	[tilespmem:s23+$0x79E0] =	vst v2;
	v2 =	vmul.f32 v61, v12  }
0x52: {  	v16 =	vld [tilespmem:s23+$0x7A60];
	[tilespmem:s23+$0x79F0] =	vst v3;
	v3 =	vmul.f32 v62, v12  }
0x53: {  	v17 =	vld [tilespmem:s23+$0x7A70];
	[tilespmem:s23+$0x7A00] =	vst v2;
	v2 =	vmul.f32 v63, v12  }
0x54: {  	v18 =	vld [tilespmem:s23+$0x7A80];
	[tilespmem:s23+$0x7A10] =	vst v3;
	v3 =	vmul.f32 v13, v12  }
0x55: {  	v19 =	vld [tilespmem:s23+$0x7A90];
	[tilespmem:s23+$0x7A20] =	vst v2;
	v2 =	vmul.f32 v14, v12  }
0x56: {  	v20 =	vld [tilespmem:s23+$0x7AA0];
	[tilespmem:s23+$0x7A30] =	vst v3;
	v3 =	vmul.f32 v15, v12  }
0x57: {  	v22 =	vld [tilespmem:s23+$0x7AB0];
	v21 =	vbroadcast v1, $0x5;
	[tilespmem:s23+$0x7A40] =	vst v2;
	v2 =	vmul.f32 v16, v12  }
0x58: {  	v23 =	vld [tilespmem:s23+$0x7AC0];
	[tilespmem:s23+$0x7A50] =	vst v3;
	v3 =	vmul.f32 v17, v12  }
0x59: {  	v24 =	vld [tilespmem:s23+$0x7AD0];
	[tilespmem:s23+$0x7A60] =	vst v2;
	v2 =	vmul.f32 v18, v21  }
0x5a: {  	v25 =	vld [tilespmem:s23+$0x7AE0];
	[tilespmem:s23+$0x7A70] =	vst v3;
	v3 =	vmul.f32 v19, v21  }
0x5b: {  	v26 =	vld [tilespmem:s23+$0x7AF0];
	[tilespmem:s23+$0x7A80] =	vst v2;
	v2 =	vmul.f32 v20, v21  }
0x5c: {  	v27 =	vld [tilespmem:s23+$0x7B00];
	[tilespmem:s23+$0x7A90] =	vst v3;
	v3 =	vmul.f32 v22, v21  }
0x5d: {  	v28 =	vld [tilespmem:s23+$0x7B10];
	[tilespmem:s23+$0x7AA0] =	vst v2;
	v2 =	vmul.f32 v23, v21  }
0x5e: {  	v29 =	vld [tilespmem:s23+$0x7B20];
	[tilespmem:s23+$0x7AB0] =	vst v3;
	v3 =	vmul.f32 v24, v21  }
0x5f: {  	v31 =	vld [tilespmem:s23+$0x7B30];
	v30 =	vbroadcast v1, $0x6;
	[tilespmem:s23+$0x7AC0] =	vst v2;
	v2 =	vmul.f32 v25, v21  }
0x60: {  	v32 =	vld [tilespmem:s23+$0x7B40];
	[tilespmem:s23+$0x7AD0] =	vst v3;
	v3 =	vmul.f32 v26, v21  }
0x61: {  	v33 =	vld [tilespmem:s23+$0x7B50];
	[tilespmem:s23+$0x7AE0] =	vst v2;
	v2 =	vmul.f32 v27, v30  }
0x62: {  	v34 =	vld [tilespmem:s23+$0x7B60];
	[tilespmem:s23+$0x7AF0] =	vst v3;
	v3 =	vmul.f32 v28, v30  }
0x63: {  	v35 =	vld [tilespmem:s23+$0x7B70];
	[tilespmem:s23+$0x7B00] =	vst v2;
	v2 =	vmul.f32 v29, v30  }
0x64: {  	v36 =	vld [tilespmem:s23+$0x7B80];
	[tilespmem:s23+$0x7B10] =	vst v3;
	v3 =	vmul.f32 v31, v30  }
0x65: {  	v37 =	vld [tilespmem:s23+$0x7B90];
	[tilespmem:s23+$0x7B20] =	vst v2;
	v2 =	vmul.f32 v32, v30  }
0x66: {  	v38 =	vld [tilespmem:s23+$0x7BA0];
	[tilespmem:s23+$0x7B30] =	vst v3;
	v3 =	vmul.f32 v33, v30  }
0x67: {  	v39 =	vbroadcast v1, $0x7;
	v40 =	vld [tilespmem:s23+$0x7BB0];
	[tilespmem:s23+$0x7B40] =	vst v2;
	v2 =	vmul.f32 v34, v30  }
0x68: {  	v41 =	vld [tilespmem:s23+$0x7BC0];
	[tilespmem:s23+$0x7B50] =	vst v3;
	v3 =	vmul.f32 v35, v30  }
0x69: {  	v42 =	vld [tilespmem:s23+$0x7BD0];
	[tilespmem:s23+$0x7B60] =	vst v2;
	v2 =	vmul.f32 v36, v39  }
0x6a: {  	v43 =	vld [tilespmem:s23+$0x7BE0];
	[tilespmem:s23+$0x7B70] =	vst v3;
	v3 =	vmul.f32 v37, v39  }
0x6b: {  	v44 =	vld [tilespmem:s23+$0x7BF0];
	[tilespmem:s23+$0x7B80] =	vst v2;
	v2 =	vmul.f32 v38, v39  }
0x6c: {  	v45 =	vld [tilespmem:s23+$0x7C00];
	[tilespmem:s23+$0x7B90] =	vst v3;
	v3 =	vmul.f32 v40, v39  }
0x6d: {  	v46 =	vld [tilespmem:s23+$0x7C10];
	[tilespmem:s23+$0x7BA0] =	vst v2;
	v2 =	vmul.f32 v41, v39  }
0x6e: {  	v47 =	vld [tilespmem:s23+$0x7C20];
	[tilespmem:s23+$0x7BB0] =	vst v3;
	v3 =	vmul.f32 v42, v39  }
0x6f: {  	v48 =	vbroadcast v1, $0x8;
	v49 =	vld [tilespmem:s23+$0x7C30];
	[tilespmem:s23+$0x7BC0] =	vst v2;
	v2 =	vmul.f32 v43, v39  }
0x70: {  	v50 =	vld [tilespmem:s23+$0x7C40];
	[tilespmem:s23+$0x7BD0] =	vst v3;
	v3 =	vmul.f32 v44, v39  }
0x71: {  	v51 =	vld [tilespmem:s23+$0x7C50];
	[tilespmem:s23+$0x7BE0] =	vst v2;
	v2 =	vmul.f32 v45, v48  }
0x72: {  	v52 =	vld [tilespmem:s23+$0x7C60];
	[tilespmem:s23+$0x7BF0] =	vst v3;
	v3 =	vmul.f32 v46, v48  }
0x73: {  	v53 =	vld [tilespmem:s23+$0x7C70];
	[tilespmem:s23+$0x7C00] =	vst v2;
	v2 =	vmul.f32 v47, v48  }
0x74: {  	v54 =	vld [tilespmem:s23+$0x7C80];
	[tilespmem:s23+$0x7C10] =	vst v3;
	v3 =	vmul.f32 v49, v48  }
0x75: {  	v55 =	vld [tilespmem:s23+$0x7C90];
	[tilespmem:s23+$0x7C20] =	vst v2;
	v2 =	vmul.f32 v50, v48  }
0x76: {  	v56 =	vld [tilespmem:s23+$0x7CA0];
	[tilespmem:s23+$0x7C30] =	vst v3;
	v3 =	vmul.f32 v51, v48  }
0x77: {  	v57 =	vbroadcast v1, $0x9;
	v58 =	vld [tilespmem:s23+$0x7CB0];
	[tilespmem:s23+$0x7C40] =	vst v2;
	v2 =	vmul.f32 v52, v48  }
0x78: {  	v59 =	vld [tilespmem:s23+$0x7CC0];
	[tilespmem:s23+$0x7C50] =	vst v3;
	v3 =	vmul.f32 v53, v48  }
0x79: {  	v60 =	vld [tilespmem:s23+$0x7CD0];
	[tilespmem:s23+$0x7C60] =	vst v2;
	v2 =	vmul.f32 v54, v57  }
0x7a: {  	v61 =	vld [tilespmem:s23+$0x7CE0];
	[tilespmem:s23+$0x7C70] =	vst v3;
	v3 =	vmul.f32 v55, v57  }
0x7b: {  	v62 =	vld [tilespmem:s23+$0x7CF0];
	[tilespmem:s23+$0x7C80] =	vst v2;
	v2 =	vmul.f32 v56, v57  }
0x7c: {  	v63 =	vld [tilespmem:s23+$0x7D00];
	[tilespmem:s23+$0x7C90] =	vst v3;
	v3 =	vmul.f32 v58, v57  }
0x7d: {  	v12 =	vld [tilespmem:s23+$0x7D10];
	[tilespmem:s23+$0x7CA0] =	vst v2;
	v2 =	vmul.f32 v59, v57  }
0x7e: {  	v13 =	vld [tilespmem:s23+$0x7D20];
	[tilespmem:s23+$0x7CB0] =	vst v3;
	v3 =	vmul.f32 v60, v57  }
0x7f: {  	v14 =	vbroadcast v1, $0xA;
	v15 =	vld [tilespmem:s23+$0x7D30];
	[tilespmem:s23+$0x7CC0] =	vst v2;
	v2 =	vmul.f32 v61, v57  }
0x80: {  	v16 =	vld [tilespmem:s23+$0x7D40];
	[tilespmem:s23+$0x7CD0] =	vst v3;
	v3 =	vmul.f32 v62, v57  }
0x81: {  	v17 =	vld [tilespmem:s23+$0x7D50];
	[tilespmem:s23+$0x7CE0] =	vst v2;
	v2 =	vmul.f32 v63, v14  }
0x82: {  	v18 =	vld [tilespmem:s23+$0x7D60];
	[tilespmem:s23+$0x7CF0] =	vst v3;
	v3 =	vmul.f32 v12, v14  }
0x83: {  	v19 =	vld [tilespmem:s23+$0x7D70];
	[tilespmem:s23+$0x7D00] =	vst v2;
	v2 =	vmul.f32 v13, v14  }
0x84: {  	v20 =	vld [tilespmem:s23+$0x7D80];
	[tilespmem:s23+$0x7D10] =	vst v3;
	v3 =	vmul.f32 v15, v14  }
0x85: {  	v21 =	vld [tilespmem:s23+$0x7D90];
	[tilespmem:s23+$0x7D20] =	vst v2;
	v2 =	vmul.f32 v16, v14  }
0x86: {  	v22 =	vld [tilespmem:s23+$0x7DA0];
	[tilespmem:s23+$0x7D30] =	vst v3;
	v3 =	vmul.f32 v17, v14  }
0x87: {  	v23 =	vbroadcast v1, $0xB;
	v24 =	vld [tilespmem:s23+$0x7DB0];
	[tilespmem:s23+$0x7D40] =	vst v2;
	v2 =	vmul.f32 v18, v14  }
0x88: {  	v25 =	vld [tilespmem:s23+$0x7DC0];
	[tilespmem:s23+$0x7D50] =	vst v3;
	v3 =	vmul.f32 v19, v14  }
0x89: {  	v26 =	vld [tilespmem:s23+$0x7DD0];
	[tilespmem:s23+$0x7D60] =	vst v2;
	v2 =	vmul.f32 v20, v23  }
0x8a: {  	v27 =	vld [tilespmem:s23+$0x7DE0];
	[tilespmem:s23+$0x7D70] =	vst v3;
	v3 =	vmul.f32 v21, v23  }
0x8b: {  	v28 =	vld [tilespmem:s23+$0x7DF0];
	[tilespmem:s23+$0x7D80] =	vst v2;
	v2 =	vmul.f32 v22, v23  }
0x8c: {  	v29 =	vld [tilespmem:s23+$0x7E00];
	[tilespmem:s23+$0x7D90] =	vst v3;
	v3 =	vmul.f32 v24, v23  }
0x8d: {  	v30 =	vld [tilespmem:s23+$0x7E10];
	[tilespmem:s23+$0x7DA0] =	vst v2;
	v2 =	vmul.f32 v25, v23  }
0x8e: {  	v31 =	vld [tilespmem:s23+$0x7E20];
	[tilespmem:s23+$0x7DB0] =	vst v3;
	v3 =	vmul.f32 v26, v23  }
0x8f: {  	v32 =	vbroadcast v1, $0xC;
	v33 =	vld [tilespmem:s23+$0x7E30];
	[tilespmem:s23+$0x7DC0] =	vst v2;
	v2 =	vmul.f32 v27, v23  }
0x90: {  	v34 =	vld [tilespmem:s23+$0x7E40];
	[tilespmem:s23+$0x7DD0] =	vst v3;
	v3 =	vmul.f32 v28, v23  }
0x91: {  	v35 =	vld [tilespmem:s23+$0x7E50];
	[tilespmem:s23+$0x7DE0] =	vst v2;
	v2 =	vmul.f32 v29, v32  }
0x92: {  	v36 =	vld [tilespmem:s23+$0x7E60];
	[tilespmem:s23+$0x7DF0] =	vst v3;
	v3 =	vmul.f32 v30, v32  }
0x93: {  	v37 =	vld [tilespmem:s23+$0x7E70];
	[tilespmem:s23+$0x7E00] =	vst v2;
	v2 =	vmul.f32 v31, v32  }
0x94: {  	v38 =	vld [tilespmem:s23+$0x7E80];
	[tilespmem:s23+$0x7E10] =	vst v3;
	v3 =	vmul.f32 v33, v32  }
0x95: {  	v39 =	vld [tilespmem:s23+$0x7E90];
	[tilespmem:s23+$0x7E20] =	vst v2;
	v2 =	vmul.f32 v34, v32  }
0x96: {  	v40 =	vld [tilespmem:s23+$0x7EA0];
	[tilespmem:s23+$0x7E30] =	vst v3;
	v3 =	vmul.f32 v35, v32  }
0x97: {  	v41 =	vbroadcast v1, $0xD;
	v42 =	vld [tilespmem:s23+$0x7EB0];
	[tilespmem:s23+$0x7E40] =	vst v2;
	v2 =	vmul.f32 v36, v32  }
0x98: {  	v43 =	vld [tilespmem:s23+$0x7EC0];
	[tilespmem:s23+$0x7E50] =	vst v3;
	v3 =	vmul.f32 v37, v32  }
0x99: {  	v44 =	vld [tilespmem:s23+$0x7ED0];
	[tilespmem:s23+$0x7E60] =	vst v2;
	v2 =	vmul.f32 v38, v41  }
0x9a: {  	v45 =	vld [tilespmem:s23+$0x7EE0];
	[tilespmem:s23+$0x7E70] =	vst v3;
	v3 =	vmul.f32 v39, v41  }
0x9b: {  	v46 =	vld [tilespmem:s23+$0x7EF0];
	[tilespmem:s23+$0x7E80] =	vst v2;
	v2 =	vmul.f32 v40, v41  }
0x9c: {  	v47 =	vld [tilespmem:s23+$0x7F00];
	[tilespmem:s23+$0x7E90] =	vst v3;
	v3 =	vmul.f32 v42, v41  }
0x9d: {  	v48 =	vld [tilespmem:s23+$0x7F10];
	[tilespmem:s23+$0x7EA0] =	vst v2;
	v2 =	vmul.f32 v43, v41  }
0x9e: {  	v49 =	vld [tilespmem:s23+$0x7F20];
	[tilespmem:s23+$0x7EB0] =	vst v3;
	v3 =	vmul.f32 v44, v41  }
0x9f: {  	v50 =	vbroadcast v1, $0xE;
	v51 =	vld [tilespmem:s23+$0x7F30];
	[tilespmem:s23+$0x7EC0] =	vst v2;
	v2 =	vmul.f32 v45, v41  }
0xa0: {  	v52 =	vld [tilespmem:s23+$0x7F40];
	[tilespmem:s23+$0x7ED0] =	vst v3;
	v3 =	vmul.f32 v46, v41  }
0xa1: {  	v53 =	vld [tilespmem:s23+$0x7F50];
	[tilespmem:s23+$0x7EE0] =	vst v2;
	v2 =	vmul.f32 v47, v50  }
0xa2: {  	v54 =	vld [tilespmem:s23+$0x7F60];
	[tilespmem:s23+$0x7EF0] =	vst v3;
	v3 =	vmul.f32 v48, v50  }
0xa3: {  	v55 =	vld [tilespmem:s23+$0x7F70];
	[tilespmem:s23+$0x7F00] =	vst v2;
	v2 =	vmul.f32 v49, v50  }
0xa4: {  	v56 =	vld [tilespmem:s23+$0x7F80];
	[tilespmem:s23+$0x7F10] =	vst v3;
	v3 =	vmul.f32 v51, v50  }
0xa5: {  	v57 =	vld [tilespmem:s23+$0x7F90];
	[tilespmem:s23+$0x7F20] =	vst v2;
	v2 =	vmul.f32 v52, v50  }
0xa6: {  	v58 =	vld [tilespmem:s23+$0x7FA0];
	[tilespmem:s23+$0x7F30] =	vst v3;
	v3 =	vmul.f32 v53, v50  }
0xa7: {  	v1 =	vbroadcast v1, $0xF;
	v59 =	vld [tilespmem:s23+$0x7FB0];
	[tilespmem:s23+$0x7F40] =	vst v2;
	v2 =	vmul.f32 v54, v50  }
0xa8: {  	v60 =	vld [tilespmem:s23+$0x7FC0];
	[tilespmem:s23+$0x7F50] =	vst v3;
	v3 =	vmul.f32 v55, v50  }
0xa9: {  	v61 =	vld [tilespmem:s23+$0x7FD0];
	[tilespmem:s23+$0x7F60] =	vst v2;
	v2 =	vmul.f32 v56, v1  }
0xaa: {  	v62 =	vld [tilespmem:s23+$0x7FE0];
	[tilespmem:s23+$0x7F70] =	vst v3;
	v3 =	vmul.f32 v57, v1  }
0xab: {  	v63 =	vld [tilespmem:s23+$0x7FF0];
	[tilespmem:s23+$0x7F80] =	vst v2;
	v2 =	vmul.f32 v58, v1  }
0xac: {  	[tilespmem:s23+$0x7F90] =	vst v3;
	v3 =	vmul.f32 v59, v1  }
0xad: {  	p0 =	sne.s32 s22, $0x7;
	[tilespmem:s23+$0x7FA0] =	vst v2;
	v2 =	vmul.f32 v60, v1  }
.Ltmp0:
0xae: {  	[tilespmem:s23+$0x7FB0] =	vst v3;
	v3 =	vmul.f32 v61, v1;
	(pc) =	sbr.rel @p0 .LBB2_3-.Ltmp0, $4  }
0xaf: {  	[tilespmem:s23+$0x7FC0] =	vst v2;
	v2 =	vmul.f32 v62, v1  }
0xb0: {  	[tilespmem:s23+$0x7FD0] =	vst v3;
	v1 =	vmul.f32 v63, v1  }
0xb1: {  	[tilespmem:s23+$0x7FE0] =	vst v2  }
0xb2: {  	s22 =	sadd.s32 $0x1, s22;
	[tilespmem:s23+$0x7FF0] =	vst v1  }
0xb3: {  	s20 =	sadd.s32 $0x1, s20  }
0xb4: {  	p0 =	sne.s32 s20, $0x4F  }
.Ltmp1:
0xb5: {  	s21 =	sadd.s32 $0x2800, s21;
	(pc) =	sbr.rel @p0 .LBB2_2-.Ltmp1, $4  }
0xb6: {  	[spmem:s3] =	stream.indirect.scatter.add.f32 [tilespmem:s17], [sflag:$0x2], $0x80, s21, s16, $0xb8;
	[tilespmem:$0x1F800] =	vst v63  }
0xb7: {  	_ =	swait.ge [sflag:s13], $0x4000  }
0xb8: {  	[sflag:s13] =	ssyncset.done $0x0  }
0xb9: {  	[sflag:s13] =	ssyncadd.s32 $0xFFFFC000  }
0xba: {  	s19 =	sadd.s32 $0x1, s19  }
0xbb: {  	p0 =	sne.s32 s19, s11  }
.Ltmp2:
0xbc: {  	[bflag:$0x0] =	sbarrier.arrive $0xFFFF;
	(pc) =	sbr.rel @p0 .LBB2_1-.Ltmp2, $4  }
0xbd: {  	[hbm:s10], [sflag:s6] =	dma.local [spmem:s12], $0x2800  }
0xbe: {  	_ =	swait.ge [sflag:s13], $0x2800  }
0xbf: {  	[sflag:s13] =	ssyncset.done $0x0  }
0xc0: {  	[sflag:s13] =	ssyncadd.s32 $0xFFFFD800  }
0xc1: {  	_ =	sfence.sel $0x180000  }
0xc2: {  	[bflag:$0x0] =	sbarrier.arrive $0xFFFF  }
0xc3: {  	p0 =	sne.s32 s0, $0x0;
	_ =	strace $0x90000047  }
0xc4: {  	s0 =	sadd.s32 @!p0 $0x100000, s2;
	[bflag:$0x2] =	sbarrier.arrive $0xFFFF  }
0xc5: {  	[sflag:s0] =	ssyncadd.tile.s32 @!p0 $0x1;
	_ =	shalt  }
.Lfunc_end2:
_tile_overlayer_lowered:
.L_overlay_start_2:
0xc6: {  	(tag) =	ssettag $0x2  }
0xc7: {  	s0 =	rddreg [dreg:$0x0];
	s2 =	stileid.u32  }
0xc8: {  	s1 =	rddreg [dreg:$0x1];
	p0 =	sne.s32 s2, $0x0  }
0xc9: {  	s3 =	rddreg [dreg:$0x2];
	[bflag:$0x3] =	sbarrier.arrive $0xFFFF;
	s2 =	simm.s32 @!p0 $0x1C02  }
0xca: {  	[timem:s3], [sflag:s2] =	dma.local @!p0 [hbm:s0], s1  }
0xcb: {  	s0 =	simm.s32 @!p0 $0x2  }
0xcc: {  	_ =	swait.ge @!p0 [sflag:s0], s1  }
0xcd: {  	s1 =	ssub.s32 @!p0 $0x0, s1;
	[sflag:s0] =	ssyncset.done @!p0 $0x0  }
0xce: {  	[sflag:s0] =	ssyncadd.s32 @!p0 s1  }
0xcf: {  	[bflag:$0x3] =	sbarrier.arrive $0xFFFF  }
0xd0: {  	_ =	shalt  }

</sc_bundles>
